<compile_context>
chip_gen: v7x
topology: tpu7x:2x2x1
jax: 0.10.2.dev20260603
libtpu: 0.0.44.dev20260713+nightly
codegen_flags: <defaults>
</compile_context>

<pallas_src>
import jax
import jax.numpy as jnp
from jax.experimental import pallas as pl

S = 128
B = 2
M = 4
LEAK = 0.0
EPS = 1e-4


def _conv3d(x, w, stride, padding):
    return jax.lax.conv_general_dilated(
        x, w, window_strides=(stride, stride, stride), padding=padding,
        dimension_numbers=('NCDHW', 'DHWIO', 'NCDHW'))


def _maxpool2(x):
    return jax.lax.reduce_window(x, -jnp.inf, jax.lax.max,
                                 (1, 1, 2, 2, 2), (1, 1, 2, 2, 2), 'VALID')


def _avgpool2(x):
    s = jax.lax.reduce_window(x, 0.0, jax.lax.add,
                              (1, 1, 2, 2, 2), (1, 1, 2, 2, 2), 'VALID')
    return s / 8.0


def _copy_body(x_ref, o_ref):
    o_ref[...] = x_ref[...]


def kernel(point_cloud, W_sub, bn_w0, bn_b0, W_conv0,
           bn_w1, bn_b1, W_conv1, bn_w2, bn_b2, W_conv2):
    coords = point_cloud[:, 0:4]
    feats = point_cloud[:, 4:5]
    ix = coords[:, 0].astype(jnp.int32)
    iy = coords[:, 1].astype(jnp.int32)
    iz = coords[:, 2].astype(jnp.int32)
    ib = coords[:, 3].astype(jnp.int32)
    dense = jnp.zeros((B, 1, S, S, S), jnp.float32).at[ib, 0, ix, iy, iz].add(feats[:, 0])
    cnt = jnp.zeros((B, 1, S, S, S), jnp.float32).at[ib, 0, ix, iy, iz].add(1.0)
    mask = (cnt > 0).astype(jnp.float32)
    x = _conv3d(dense, W_sub, 1, 'SAME') * mask
    stages = [(bn_w0, bn_b0, W_conv0), (bn_w1, bn_b1, W_conv1), (bn_w2, bn_b2, W_conv2)]
    for bw, bb, cw in stages:
        n_active = jnp.maximum(jnp.sum(mask), 1.0)
        mean = jnp.sum(x * mask, axis=(0, 2, 3, 4)) / n_active
        xc = (x - mean[None, :, None, None, None]) * mask
        var = jnp.sum(xc * xc, axis=(0, 2, 3, 4)) / n_active
        xn = xc / jnp.sqrt(var + EPS)[None, :, None, None, None]
        xn = (xn * bw[None, :, None, None, None] + bb[None, :, None, None, None]) * mask
        x = jnp.where(xn > 0, xn, LEAK * xn)
        x = _conv3d(x, cw, 2, 'VALID')
        mask = _maxpool2(mask)
        x = x * mask
        x = _avgpool2(x)
        mask = _maxpool2(mask)
        x = x * mask
    out = x.reshape(x.shape[0], -1)
    out = pl.pallas_call(
        _copy_body, out_shape=jax.ShapeDtypeStruct(out.shape, out.dtype))(out)
    return out

# --- scband reference (transcript-rebuilt; emitter-appended) ---
"""Pipeline reference for scband-encoder-model-19250043420863 (READ-ONLY COPY).

The authoritative reference and input builder live on the scoring server;
editing this copy changes nothing except your own understanding.
"""

import jax, jax.numpy as jnp
import numpy as np

S = 128   # input_spatial_size
B = 2     # batch size used by the jax reference
M = 4     # features_per_pixel
LEAK = 0.0
EPS = 1e-4
N_PTS = 100000


def conv3d(x, w, stride, padding):
    return jax.lax.conv_general_dilated(
        x, w, window_strides=(stride, stride, stride), padding=padding,
        dimension_numbers=('NCDHW', 'DHWIO', 'NCDHW'))


def maxpool2(x):
    return jax.lax.reduce_window(x, -jnp.inf, jax.lax.max,
                                 (1, 1, 2, 2, 2), (1, 1, 2, 2, 2), 'VALID')


def avgpool2(x):
    s = jax.lax.reduce_window(x, 0.0, jax.lax.add,
                              (1, 1, 2, 2, 2), (1, 1, 2, 2, 2), 'VALID')
    return s / 8.0


def setup_inputs(seed: int = 0):
    key = jax.random.key(seed)
    k1, k2, k3, k4, k5 = jax.random.split(key, 5)
    xyz = jax.random.randint(k1, (N_PTS, 3), 0, S)
    b = jax.random.randint(k2, (N_PTS, 1), 0, B)
    feat = jax.random.normal(k3, (N_PTS, 1), dtype=jnp.float32)
    point_cloud = jnp.concatenate(
        [xyz.astype(jnp.float32), b.astype(jnp.float32), feat], axis=1)
    W_sub = jax.random.normal(k4, (3, 3, 3, 1, M), dtype=jnp.float32) * 0.1
    inp = {'point_cloud': point_cloud, 'W_sub': W_sub}
    kk = k5
    for i in range(3):
        kk, ka = jax.random.split(kk)
        inp['bn_w%d' % i] = jnp.ones((M,), jnp.float32)
        inp['bn_b%d' % i] = jnp.zeros((M,), jnp.float32)
        inp['W_conv%d' % i] = jax.random.normal(ka, (2, 2, 2, M, M), jnp.float32) * 0.1
    return inp


def reference(point_cloud, W_sub, bn_w0, bn_b0, W_conv0,
              bn_w1, bn_b1, W_conv1, bn_w2, bn_b2, W_conv2):
    # InputLayer(mode=3): voxelize, summing features of duplicate coordinates.
    coords = point_cloud[:, 0:4]
    feats = point_cloud[:, 4:5]
    ix = coords[:, 0].astype(jnp.int32)
    iy = coords[:, 1].astype(jnp.int32)
    iz = coords[:, 2].astype(jnp.int32)
    ib = coords[:, 3].astype(jnp.int32)
    dense = jnp.zeros((B, 1, S, S, S), jnp.float32).at[ib, 0, ix, iy, iz].add(feats[:, 0])
    cnt = jnp.zeros((B, 1, S, S, S), jnp.float32).at[ib, 0, ix, iy, iz].add(1.0)
    mask = (cnt > 0).astype(jnp.float32)
    # SubmanifoldConvolution 3x3x3, 1->M, no bias: output only at active sites.
    x = conv3d(dense, W_sub, 1, 'SAME') * mask
    stages = [(bn_w0, bn_b0, W_conv0), (bn_w1, bn_b1, W_conv1), (bn_w2, bn_b2, W_conv2)]
    for bw, bb, cw in stages:
        # BatchNormLeakyReLU over active sites only.
        n_active = jnp.maximum(jnp.sum(mask), 1.0)
        mean = jnp.sum(x * mask, axis=(0, 2, 3, 4)) / n_active
        xc = (x - mean[None, :, None, None, None]) * mask
        var = jnp.sum(xc * xc, axis=(0, 2, 3, 4)) / n_active
        xn = xc / jnp.sqrt(var + EPS)[None, :, None, None, None]
        xn = (xn * bw[None, :, None, None, None] + bb[None, :, None, None, None]) * mask
        x = jnp.where(xn > 0, xn, LEAK * xn)
        # Convolution(kernel=2, stride=2, no bias): active if any input active.
        x = conv3d(x, cw, 2, 'VALID')
        mask = maxpool2(mask)
        x = x * mask
        # AveragePooling(2, 2): scn divides by full pool volume (8).
        x = avgpool2(x)
        mask = maxpool2(mask)
        x = x * mask
    # SparseToDense then view(-1, D^3 * C)
    return x.reshape(x.shape[0], -1)

if __name__ == "__main__":
    import jax
    _d = setup_inputs()
    print(jax.jit(kernel)(*tuple(_d.values())))

</pallas_src>

<mosaic_0001>
module attributes {stable_mosaic.version = 14 : i64} {
  func.func @_copy_body(%arg0: memref<2x32xf32, #tpu.memory_space<vmem>>, %arg1: memref<2x32xf32, #tpu.memory_space<vmem>>) attributes {dimension_semantics = [], scalar_prefetch = 0 : i64, scratch_operands = 0 : i64, tpu.core_type = #tpu.core_type<tc>} {
    %get3A = arith.constant 0 : index
    %get3A_0 = arith.constant 0 : index
    %get3A_1 = vector.load %arg0[%get3A, %get3A_0] : memref<2x32xf32, #tpu.memory_space<vmem>>, vector<2x32xf32>
    %swap3A = arith.constant 0 : index
    %swap3A_2 = arith.constant 0 : index
    %swap3A_3 = vector.load %arg1[%swap3A, %swap3A_2] : memref<2x32xf32, #tpu.memory_space<vmem>>, vector<2x32xf32>
    tpu.vector_store %arg1[%swap3A, %swap3A_2], %get3A_1 {strides = array<i32>} : memref<2x32xf32, #tpu.memory_space<vmem>>, vector<2x32xf32>,
    return
  }
}

</mosaic_0001>

<sc_bundles>
// kernel: scatter_offload_async_start.1
scs
__scs_entry_jumppad:
0x0: {  	(pc) =	sbr.rel $0x88, $3  }
0x1: {  	(tag) =	ssettag $0x0;
	lr =	simm.s32 $0x1  }
0x2: {  	[smem:$0x3F96] =	sst lr;
	_ =	strace $0xD0000000  }
0x3: {  	_ = 	snop  }
0x4: {  	_ = 	snop  }
0x5: {  	_ = 	snop  }
0x6: {  	_ = 	snop  }
0x7: {  	_ = 	snop  }
__scs_overlays_trampoline_lowered:
0x8: {  	[smem:$0x3FA5] =	sst s0  }
0x9: {  	[smem:$0x3FA6] =	sst s1  }
0xa: {  	[smem:$0x3FA7] =	sst s2  }
0xb: {  	[smem:$0x3FA8] =	sst s3  }
0xc: {  	[smem:$0x3FA9] =	sst s4  }
0xd: {  	[smem:$0x3FAA] =	sst s5  }
0xe: {  	[smem:$0x3FAB] =	sst s6  }
0xf: {  	[smem:$0x3FAC] =	sst s7  }
0x10: {  	[smem:$0x3FAD] =	sst s8  }
0x11: {  	[smem:$0x3FAE] =	sst s9;
	s0 =	simm.s32 @!p0 $0x0  }
0x12: {  	s1 =	sld [smem:$0x3F94];
	s0 =	simm.s32 @p0 $0x1  }
0x13: {  	[smem:$0x3FAF] =	sst s0;
	s0 =	simm.s32 @!p1 $0x0  }
0x14: {  	s2 =	sld [smem:$0x3F93];
	s0 =	simm.s32 @p1 $0x1  }
0x15: {  	[smem:$0x3FB0] =	sst s0;
	s0 =	simm.s32 @!p2 $0x0  }
0x16: {  	s3 =	sld [smem:$0x3FDB];
	s0 =	simm.s32 @p2 $0x1  }
0x17: {  	s4 =	simm.s32 $0x1BF5;
	[smem:$0x3FB2] =	sst s0  }
0x18: {  	s0 =	sld [smem:$0x3F95];
	_ =	swait.ge [sflag:s4], $0x0  }
0x19: {  	s7 =	sld [smem:$0x3F96]  }
0x1a: {  	s8 =	sadd.s32 $0xFFFFE003, lr  }
0x1b: {  	s9 =	sadd.s32 $0xFFFFFEF7, lr;
	s5 =	simm.s32 $0xFFFFFFFF;
	p2 =	slt.u32 s8, $0xFFFFF086  }
0x1c: {  	p1 =	slt.u32 s9, $0xF7A;
	s5 =	simm.s32 @!p2 $0x0  }
0x1d: {  	s5 =	simm.s32 @p1 $0x1;
	p0 =	seq.s32 s7, s2  }
0x1e: {  	s7 =	smul.u32 @!p0 $0xF7A, s2;
	p2 =	seq.s32 @!p0 s5, $0x0  }
0x1f: {  	s9 =	smul.u32 $0xF7A, s1;
	s8 =	simm.s32 @!p0 $0x1BF5;
	p2 =	por !p2, p0  }
0x20: {  	[sflag:s8] =	ssyncset.s32 @!p0 $0xFFFFF086;
	s6 =	sadd.s32 @!p0 s3, s7;
	s7 =	simm.s32 @!p0 $0x108  }
0x21: {  	s3 =	sadd.s32 s3, s9;
	s6 =	sadd.s32 @!p0 $0x88, s6;
	s7 =	simm.s32 @p2 $0x1082  }
0x22: {  	[simem:s7], [sflag:s8] =	dma.local @!p0 [hbm:s6], $0xF7A  }
0x23: {  	s9 =	sor.u32 $0xD0000000, s2;
	s6 =	simm.s32 $0x108;
	_ =	swait.ge @!p0 [sflag:s8], $0x0  }
0x24: {  	s3 =	sadd.s32 $0x88, s3;
	s6 =	simm.s32 @!p1 $0x1082;
	[sflag:s4] =	ssyncset.s32 $0xFFFFF086  }
0x25: {  	[simem:s6], [sflag:s4] =	dma.local [hbm:s3], $0xF7A  }
0x26: {  	[smem:$0x3F96] =	sst s1;
	(tag) =	ssettag s2;
	_ =	strace s9  }
0x27: {  	s1 =	sld [smem:$0x3FA6]  }
0x28: {  	s2 =	sld [smem:$0x3FA7]  }
0x29: {  	s4 =	sld [smem:$0x3FA9]  }
0x2a: {  	p0 =	seq.s32 s5, $0x0;
	s5 =	sld [smem:$0x3FAA]  }
0x2b: {  	s6 =	sld [smem:$0x3FAB]  }
0x2c: {  	s7 =	sld [smem:$0x3FAC]  }
0x2d: {  	s3 =	simm.s32 $0x108;
	s8 =	sld [smem:$0x3FAD]  }
0x2e: {  	s3 =	simm.s32 @!p0 $0x1082;
	s9 =	sld [smem:$0x3FAE]  }
0x2f: {  	lr =	sadd.s32 s0, s3;
	s0 =	sld [smem:$0x3FA5]  }
0x30: {  	s3 =	sld [smem:$0x3FA8]  }
0x31: {  	[smem:$0x3FB1] =	sst s10  }
0x32: {  	s10 =	sld [smem:$0x3FAF];
	_ =	sdelay $0x3  }
0x33: {  	p0 =	seq.s32 s10, $0x1;
	s10 =	sld [smem:$0x3FB1];
	_ =	sdelay $0x3  }
0x34: {  	[smem:$0x3FB1] =	sst s10  }
0x35: {  	s10 =	sld [smem:$0x3FB0];
	_ =	sdelay $0x3  }
0x36: {  	p1 =	seq.s32 s10, $0x1;
	s10 =	sld [smem:$0x3FB1];
	_ =	sdelay $0x3  }
0x37: {  	[smem:$0x3FB1] =	sst s10  }
0x38: {  	s10 =	sld [smem:$0x3FB2]  }
0x39: {  	_ = 	snop;
	(pc) =	sbr.ind lr, $3  }
0x3a: {  	_ = 	snop  }
0x3b: {  	_ = 	snop  }
0x3c: {  	p2 =	seq.s32 s10, $0x1;
	s10 =	sld [smem:$0x3FB1]  }
0x3d: {  	_ =	shalt  }
0x3e: {  	_ =	shalt  }
0x3f: {  	_ =	shalt  }
0x40: {  	_ =	shalt  }
0x41: {  	_ =	shalt  }
0x42: {  	_ =	shalt  }
0x43: {  	_ =	shalt  }
0x44: {  	_ =	shalt  }
0x45: {  	_ =	shalt  }
0x46: {  	_ =	shalt  }
0x47: {  	_ =	shalt  }
0x48: {  	_ =	shalt  }
0x49: {  	_ =	shalt  }
0x4a: {  	_ =	shalt  }
0x4b: {  	_ =	shalt  }
0x4c: {  	_ =	shalt  }
0x4d: {  	_ =	shalt  }
0x4e: {  	_ =	shalt  }
0x4f: {  	_ =	shalt  }
0x50: {  	_ =	shalt  }
0x51: {  	_ =	shalt  }
0x52: {  	_ =	shalt  }
0x53: {  	_ =	shalt  }
0x54: {  	_ =	shalt  }
0x55: {  	_ =	shalt  }
0x56: {  	_ =	shalt  }
0x57: {  	_ =	shalt  }
0x58: {  	_ =	shalt  }
0x59: {  	_ =	shalt  }
0x5a: {  	_ =	shalt  }
0x5b: {  	_ =	shalt  }
0x5c: {  	_ =	shalt  }
0x5d: {  	_ =	shalt  }
0x5e: {  	_ =	shalt  }
0x5f: {  	_ =	shalt  }
0x60: {  	_ =	shalt  }
0x61: {  	_ =	shalt  }
0x62: {  	_ =	shalt  }
0x63: {  	_ =	shalt  }
0x64: {  	_ =	shalt  }
0x65: {  	_ =	shalt  }
0x66: {  	_ =	shalt  }
0x67: {  	_ =	shalt  }
0x68: {  	_ =	shalt  }
0x69: {  	_ =	shalt  }
0x6a: {  	_ =	shalt  }
0x6b: {  	_ =	shalt  }
0x6c: {  	_ =	shalt  }
0x6d: {  	_ =	shalt  }
0x6e: {  	_ =	shalt  }
0x6f: {  	_ =	shalt  }
0x70: {  	_ =	shalt  }
0x71: {  	_ =	shalt  }
0x72: {  	_ =	shalt  }
0x73: {  	_ =	shalt  }
0x74: {  	_ =	shalt  }
0x75: {  	_ =	shalt  }
0x76: {  	_ =	shalt  }
0x77: {  	_ =	shalt  }
0x78: {  	_ =	shalt  }
0x79: {  	_ =	shalt  }
0x7a: {  	_ =	shalt  }
0x7b: {  	_ =	shalt  }
0x7c: {  	_ =	shalt  }
0x7d: {  	_ =	shalt  }
0x7e: {  	_ =	shalt  }
0x7f: {  	_ =	shalt  }
0x80: {  	_ =	shalt  }
0x81: {  	_ =	shalt  }
0x82: {  	_ =	shalt  }
0x83: {  	_ =	shalt  }
0x84: {  	_ =	shalt  }
0x85: {  	_ =	shalt  }
0x86: {  	_ =	shalt  }
0x87: {  	_ =	shalt  }
.Lfunc_end0:
.L_simem_size_0:
called_computation.1_lowered:
.L_overlay_start_0:
0x88: {  	s0 =	sld [smem:$0x3FD9]  }
0x89: {  	s1 =	sld [smem:$0x3FFE];
	_ =	sdelay $0x3  }
0x8a: {  	s0 =	sadd.s32 s1, s0  }
0x8b: {  	[smem:$0x3FBD] =	sst s0  }
0x8c: {  	_ = 	snop  }
0x8d: {  	(tm) =	ssettm $0x1  }
0x8e: {  	s15 =	sld [smem:$0x3FFB];
	_ =	sdelay $0x3  }
0x8f: {  	_ =	strace s15  }
0x90: {  	s0 =	sld [smem:$0x3FFC];
	_ =	sdelay $0x3  }
0x91: {  	_ =	strace s0  }
0x92: {  	s0 =	sld [smem:$0x3FFD];
	_ =	sdelay $0x3  }
0x93: {  	_ =	strace s0  }
0x94: {  	_ =	strace $0x8FFFFFFF  }
0x95: {  	s16 =	sld [smem:$0x3FDB];
	_ =	sdelay $0x1  }
0x96: {  	s17 =	simm.s32 $_scs_section_size  }
0x97: {  	s2 =	simm.s32 $_size__tile_overlayer_lowered;
	s3 =	simm.s32 $_tile_overlayer_lowered  }
0x98: {  	s20 =	simm.s32 $0x1BFF;
	s19 =	sshll.u32 s3, $0x1;
	s0 =	sadd.s32 s17, s16  }
0x99: {  	s4 =	simm.s32 $0x0;
	s18 =	sshll.u32 s2, $0x1;
	s2 =	sadd.s32 s19, s0  }
0x9a: {  	[timem:s4], [sflag:s20] =	dma.local [hbm:s2], s18  }
0x9b: {  	_ =	swait.ge [sflag:s20], s18  }
0x9c: {  	s1 =	ssub.s32 $0x0, s18;
	[sflag:s20] =	ssyncset.done $0x0  }
0x9d: {  	[sflag:s20] =	ssyncadd.s32 s1;
	_ =	sdelay $0x1  }
0x9e: {  	s21 =	simm.s32 $0x1B8B  }
0x9f: {  	_ =	swait.ge [sflag:s21], $0x1  }
0xa0: {  	[sflag:s21] =	ssyncset.done $0x0  }
0xa1: {  	s23 =	simm.s32 $0x1B8E;
	s22 =	sld [smem:$0x3FFE];
	[sflag:s21] =	ssyncadd.s32 $0xFFFFFFFF  }
0xa2: {  	s24 =	simm.s32 $execute0_lowered;
	[smem:$0x3FD2] =	sst s23  }
0xa3: {  	s2 =	sshll.u32 s24, $0x1;
	_ =	strace $0x8000004C;
	[dreg:$0x1] =	wrdreg $0xFFFFFFFF  }
0xa4: {  	s25 =	simm.s32 $_size_execute0_lowered;
	s0 =	sadd.s32 s0, s2;
	[dreg:$0x0] =	wrdreg $0x0  }
0xa5: {  	s2 =	sshll.u32 s25, $0x1;
	[dreg:$0x2] =	wrdreg s0  }
0xa6: {  	[dreg:$0x3] =	wrdreg s2  }
0xa7: {  	[dreg:$0x4] =	wrdreg $0xC0  }
0xa8: {  	_ =	task [dreg:s4], $0x5FFFF  }
0xa9: {  	[dreg:$0x1] =	wrdreg $0xFFFFFFFF  }
0xaa: {  	[dreg:$0x0] =	wrdreg $0x60  }
0xab: {  	[dreg:$0x2] =	wrdreg s22  }
0xac: {  	[dreg:$0x3] =	wrdreg $0x9  }
0xad: {  	_ =	task.clear_ibuf [dreg:s4], $0x4FFFF;
	_ =	strace $0x9000004C  }
0xae: {  	s26 =	simm.s32 $0x9;
	_ =	strace $0x8000004E  }
0xaf: {  	_ =	swait.ge [sflag:s26], $0x1  }
0xb0: {  	[sflag:s26] =	ssyncadd.s32 $0xFFFFFFFF  }
0xb1: {  	_ =	strace $0x9000004E  }
0xb2: {  	_ =	sfence  }
0xb3: {  	s28 =	sld [smem:$0x0];
	_ =	sdelay $0x1  }
0xb4: {  	s29 =	srdreg.scid  }
0xb5: {  	s30 =	sshll.u32 s29, $0xD;
	s31 =	sshrl.u32 s29, $0x2  }
0xb6: {  	s1 =	sand.u32 $0x1, s29;
	s2 =	sand.u32 $0x4000, s30;
	s0 =	sadd.s32 s31, s28  }
0xb7: {  	s1 =	sor.u32 s2, s1;
	s0 =	sshll.u32 s0, $0x11  }
0xb8: {  	s0 =	sor.u32 s0, s1  }
0xb9: {  	s0 =	sadd.s32 $0x8F2B, s0  }
0xba: {  	[sflag:s0] =	ssyncadd.remote.s32 $0x1  }
0xbb: {  	_ =	sfence.sel $0xFFFF  }
0xbc: {  	[dreg:$0x0] =	wrdreg $0xFFFFFFFF;
	(pc) =	sbr.abs _section_cstart, $3  }
0xbd: {  	[dreg:$0x1] =	wrdreg $0xFFFFFFFF  }
0xbe: {  	_ =	task.clear_ibuf [dreg:s4], $0x2FFFF;
	_ =	strace $0x9FFFFFFF  }
0xbf: {  	(tm) =	ssettm $0x7FFFFFFF  }
tec
execute0_lowered:
.L_overlay_start_1:
0x0: {  	(tag) =	ssettag $0x1  }
0x1: {  	s0 =	rddreg [dreg:$0x0]  }
0x2: {  	s14 =	stileid.u32;
	_ =	strace $0x8000004D;
	s2 =	simm.s32 $0x1  }
0x3: {  	v1 =	vimm.s32 $0xFFFFFFFF;
	s1 =	smin.u32 s14, $0x9;
	[sflag:s2] =	ssyncpa.u1 $0x0  }
0x4: {  	s1 =	sadd.s32 s14, s1;
	[tilespmem:$0x10] =	vst v1  }
0x5: {  	v0 =	vimm.f32 $0.0e+00;
	p0 =	slt.u32 s14, $0x9;
	[tilespmem:$0x20] =	vst v1;
	s3 =	smul.u32 $0xFA0, s1;
	s1 =	simm.s32 $0x1F40  }
0x6: {  	[tilespmem:$0x30] =	vst v0;
	s1 =	simm.s32 @!p0 $0xFA0  }
0x7: {  	[tilespmem:$0x40] =	vst v0;
	s1 =	sadd.s32 s1, s3  }
0x8: {  	[tilespmem:$0x50] =	vst v0;
	s4 =	smin.u32 s1, $0x186A0  }
0x9: {  	[tilespmem:$0x60] =	vst v1;
	s9 =	ssub.s32 s4, s3  }
0xa: {  	s7 =	simm.s32 $0x2;
	s8 =	simm.s32 $0x8;
	[tilespmem:$0x70] =	vst v1;
	p0 =	sgt.s32 s9, $0x0  }
0xb: {  	s31 =	simm.s32 $0x9;
	s16 =	simm.s32 $0x0;
	[tilespmem:$0x80] =	vst v1;
	s9 =	simm.s32 @!p0 $0x0  }
0xc: {  	s17 =	simm.s32 $0xF0;
	s18 =	simm.s32 $0xFFFFFFFF;
	v1 =	vimm.s32 $0x0;
	[tilespmem:$0xB0] =	vst v0;
	s5 =	smulhi.u32 $0x10624DD3, s9  }
0xd: {  	s19 =	simm.s32 $0xFFFFE1C0;
	s20 =	simm.s32 $0xFFFFFFFE;
	s21 =	simm.s32 $0xF;
	[tilespmem:$0x90] =	vst v1  }
0xe: {  	[tilespmem:$0xA0] =	vst v1;
	[sflag:s7] =	ssyncpa.u1 $0x0;
	s7 =	simm.s32 $0x7;
	s10 =	sshrl.u32 s5, $0x8  }
0xf: {  	s25 =	simm.s32 $0x0;
	[sflag:s7] =	ssyncpa.u1 $0x0;
	s11 =	smul.u32 $0xFA0, s10  }
0x10: {  	s24 =	simm.s32 $0x0;
	s6 =	sadd.s32 $0x10C800, s0;
	[sflag:s8] =	ssyncpa.u1 $0x0  }
.Ltmp0:
0x11: {  	s23 =	smov.u32 s3;
	p0 =	sne.s32 s9, s11;
	(pc) =	sbr.rel .LBB2_1-.Ltmp0, $4  }
0x12: {  	s1 =	sadd.s32 $0x9600, s0;
	[sflag:s31] =	ssyncpa.u1 $0x0;
	s2 =	simm.s32 @!p0 $0x0  }
0x13: {  	s5 =	sadd.s32 $0x109600, s0;
	p0 =	por $0x0, $0x0;
	s9 =	sadd.s32 s2, s10  }
0x14: {  	vm0 =	vmmov $0xffff;
	v2 =	vlaneseq.u32;
	s10 =	sshll.u32 s14, $0x1;
	s14 =	sshllo.u32 s14, $0x1;
	s11 =	sadd.s32 $0x1, s9  }
0x15: {  	vm1 =	vmxor vm1, vm1;
	vm2 =	vmmov $0x1;
	vm3 =	vcmask $0x3F3C;
	s12 =	sadd.s32 $0x2, s9;
	s13 =	sor.u32 $0x81, s10;
	s15 =	sor.u32 $0x80, s10  }
.LBB2_9:
0x16: {  	p1 =	slt.u32 s24, $0x3  }
0x17: {  	s0 =	simm.s32 @!p1 $0x2  }
0x18: {  	_ =	swait.ge @!p1 [sflag:s0], $0xFA0  }
0x19: {  	[sflag:s0] =	ssyncset.done @!p1 $0x0  }
0x1a: {  	[sflag:s0] =	ssyncadd.s32 @!p1 $0xFFFFF060;
	s0 =	simm.s32 @!p1 $0x9  }
0x1b: {  	_ =	swait.ge @!p1 [sflag:s0], $0x10  }
0x1c: {  	[sflag:s0] =	ssyncset.done @!p1 $0x0  }
0x1d: {  	[sflag:s0] =	ssyncadd.s32 @!p1 $0xFFFFFFF0;
	p1 =	sne.s32 s24, s12  }
.Ltmp1:
0x1e: {  	s2 =	sadd.s32 $0xFA0, s23;
	(pc) =	sbr.rel @!p1 .LBB2_10-.Ltmp1, $4  }
0x1f: {  	s22 =	smov.u32 s3;
	s31 =	sadd.s32 $0x1, s24;
	s17 =	sadd.s32 $0xFA0, s17  }
0x20: {  	s18 =	sadd.s32 $0x1, s18;
	s25 =	smov.u32 s23;
	p2 =	slt.s32 s2, s4  }
0x21: {  	p0 =	por !p0, !p0;
	s19 =	sadd.s32 $0xFA0, s19;
	s22 =	smov.u32 @p2 s2  }
0x22: {  	s20 =	sadd.s32 $0x1, s20;
	s23 =	smov.u32 s22;
	s24 =	smov.u32 s31  }
.LBB2_1:
0x23: {  	p1 =	sge.u32 s24, s9  }
0x24: {  	s0 =	smulhi.u32 @!p1 $0xAAAAAAAB, s24;
	_ =	sdelay $0x1  }
0x25: {  	s0 =	sshrl.u32 @!p1 s0, $0x1  }
0x26: {  	s0 =	smul.u32 @!p1 $0x3, s0;
	_ =	sdelay $0x1  }
0x27: {  	s0 =	ssub.s32 @!p1 s24, s0  }
0x28: {  	s0 =	smul.u32 @!p1 $0x3E80, s0;
	_ =	sdelay $0x1  }
0x29: {  	s2 =	sshrl.u32 @!p1 s23, $0x3;
	s0 =	sshrl.u32 @!p1 s0, $0x2  }
0x2a: {  	s22 =	sand.u32 @!p1 $0x7, s23;
	s2 =	sadd.s32 @!p1 s5, s2;
	s0 =	sadd.s32 @!p1 $0x100, s0  }
0x2b: {  	[tilespmem:s0], [sflag:$0x7] =	stream.linear.gather @!p1 [hbm4b:s2+s22], $0xFA0, $0x38;
	[tilespmem:$0x8DC0] =	vst v63  }
0x2c: {  	s0 =	sadd.s32 $0xFFFFFFFF, s24  }
0x2d: {  	p1 =	sge.u32 s0, s9  }
.Ltmp2:
0x2e: {  	_ = 	snop;
	(pc) =	sbr.rel @p1 .LBB2_5-.Ltmp2, $1  }
0x2f: {  	_ =	sdelay $0x3  }
0x30: {  	s2 =	smulhi.u32 $0xAAAAAAAB, s0;
	_ =	sdelay $0x1  }
0x31: {  	s2 =	sshrl.u32 s2, $0x1  }
0x32: {  	s2 =	smul.u32 $0x3, s2;
	_ =	sdelay $0x1  }
0x33: {  	s2 =	ssub.s32 s0, s2  }
0x34: {  	s2 =	smul.u32 $0x3E80, s2  }
0x35: {  	_ =	swait.ge [sflag:s7], $0xFA0  }
0x36: {  	[sflag:s7] =	ssyncset.done $0x0;
	s2 =	sshrl.u32 s2, $0x2  }
0x37: {  	[sflag:s7] =	ssyncadd.s32 $0xFFFFF060;
	(ifvalue) =	ssetifvalue $0xFFFFFFFF;
	v3 =	vld.msk [tilespmem:s2+$0x100 ss:$0x1], $0xffff;
	_ =	sdelay $0x2  }
0x38: {  	s30 =	smulhi.u32 $0xAAAAAAAB, s18;
	p1 =	sne.s32 s24, $0x1  }
0x39: {  	v4 =	vimm.s32 @!p1 $0x0  }
0x3a: {  	s2 =	sshrl.u32 s30, $0x1;
	v4 =	vperm.xlane @!p1 v3, v4  }
0x3b: {  	s22 =	sshll.u32 s24, $0x4;
	s2 =	smul.u32 $0xFFFF4480, s2;
	vm4 =	vlt.u32 v3, $0x400000  }
0x3c: {  	s22 =	sand.u32 $0x10, s22;
	v3 =	vnsel vm4, $0xFFFFFFFE, v3;
	vm4 =	vlt.u32 @!p1 v4, $0x400000  }
0x3d: {  	s2 =	sshra.s32 s2, $0x2;
	[tilespmem:s22+$0x60] =	vst v3;
	v3 =	vnsel @!p1 vm4, $0xFFFFFFFE, v4  }
0x3e: {  	s28 =	sadd.s32 s2, s17;
	[tilespmem:$0x80] =	vst @!p1 v3  }
0x3f: {  	v3 =	vld.msk [tilespmem:s28+$0x0 ss:$0x1], $0xffff;
	_ =	sdelay $0x4  }
0x40: {  	(xrf1) =	vunique.msk.u32 $0xffff, v3;
	_ =	sdelay $0xd  }
0x41: {  	v4 =	vimm.s32 $0xFFFFFFFF;
	v5, _, _ =	vpop (xrf1)  }
0x42: {  	vm5 =	vne.s32 v3, v4;
	vm4 =	veq.s32 v5, v2  }
0x43: {  	vm6 =	vlt.u32 v3, $0x400000;
	vm4 =	vmand vm5, vm4  }
0x44: {  	vm4 =	vmand vm6, vm4  }
0x45: {  	v4 =	vnsel vm4, $0xFFFFFFFF, v3  }
0x46: {  	s31 =	sand.u32 $0x1, s0  }
0x47: {  	s0 =	simm.s32 $0xFA0;
	p1 =	seq.s32 s31, $0x1  }
0x48: {  	s0 =	simm.s32 @!p1 $0x0  }
0x49: {  	s26 =	sadd.s32 $0x3F70, s0;
	(ifvalue) =	ssetifvalue $0xFFFFFFFF  }
0x4a: {  	v3 =	vperm.xlane v3, v1;
	[tilespmem:s26], [sflag:$0x8] =	stream.indirect_vreg.gather [hbm4b:s1+s16], $0x1, v4, vm0, $0x4038;
	v4 =	vnsel vm6, $0xFFFFFFFE, v4;
	[tilespmem:$0x8DC0] =	vst v63  }
0x4b: {  	s2 =	simm.s32 $0x0;
	s22 =	sadd.s32 $0xFFFFFFF0, s28;
	[tilespmem:s28+$0x0] =	vst v4  }
.LBB2_3:
0x4c: {  	v4 =	vld.msk [tilespmem:s22+$0x0 ss:$0x1], $0xffff;
	s2 =	sadd.s32 $0x10, s2;
	v5 =	vmov v3;
	s28 =	smov.u32 s22  }
0x4d: {  	p1 =	slt.u32 s2, $0xF90;
	_ =	sdelay $0x4  }
0x4e: {  	v3 =	vperm.xlane v4, v1;
	(xrf1) =	vunique.msk.u32 $0xffff, v4;
	_ =	sdelay $0xd  }
0x4f: {  	v6, _, _ =	vpop (xrf1)  }
0x50: {  	vm5 =	vne.s32 v4, v5;
	vm4 =	veq.s32 v6, v2  }
0x51: {  	vm6 =	vlt.u32 v4, $0x400000;
	vm4 =	vmand vm5, vm4  }
0x52: {  	vm4 =	vmand vm6, vm4  }
0x53: {  	v4 =	vnsel vm4, $0xFFFFFFFF, v4  }
.Ltmp3:
0x54: {  	v5 =	vnsel vm6, $0xFFFFFFFE, v4;
	(pc) =	sbr.rel @p1 .LBB2_3-.Ltmp3, $3  }
0x55: {  	_ =	sdelay $0x1  }
0x56: {  	s22 =	sadd.s32 $0xFFFFFFF0, s22;
	s26 =	sadd.s32 $0xFFFFFFF0, s26;
	(ifvalue) =	ssetifvalue $0xFFFFFFFF  }
0x57: {  	[tilespmem:s26], [sflag:$0x8] =	stream.indirect_vreg.gather [hbm4b:s1+s16], $0x1, v4, vm0, $0x4038;
	[tilespmem:s28+$0x0] =	vst v5  }
0x58: {  	s2 =	sshrl.u32 s25, $0x3  }
0x59: {  	s0 =	sadd.s32 $0x4F20, s0;
	s2 =	sadd.s32 s6, s2  }
0x5a: {  	[tilespmem:s0], [sflag:$0x8] =	stream.linear.gather [hbm:s2], $0xFA0, $0x38;
	[tilespmem:$0x8DC0] =	vst v63  }
.LBB2_5:
0x5b: {  	p1 =	slt.u32 s24, $0x2  }
0x5c: {  	p2 =	sge.u32 @!p1 s24, s12  }
0x5d: {  	p1 =	por p1, p2  }
.Ltmp4:
0x5e: {  	_ = 	snop;
	(pc) =	sbr.rel @p1 .LBB2_9-.Ltmp4, $1  }
0x5f: {  	_ =	sdelay $0x3  }
0x60: {  	s0 =	sadd.s32 $0xFFFFFFFE, s24  }
0x61: {  	s2 =	smulhi.u32 $0xAAAAAAAB, s0;
	_ =	sdelay $0x1  }
0x62: {  	s2 =	sshrl.u32 s2, $0x1  }
0x63: {  	s2 =	smul.u32 $0x3, s2;
	_ =	sdelay $0x1  }
0x64: {  	s0 =	ssub.s32 s0, s2  }
0x65: {  	_ =	swait.ge [sflag:s8], $0x1F40;
	s0 =	smul.u32 $0xFA0, s0  }
0x66: {  	p1 =	sne.s32 s24, s11;
	[sflag:s8] =	ssyncset.done $0x0  }
0x67: {  	[sflag:s8] =	ssyncadd.s32 $0xFFFFE0C0;
	s2 =	sadd.s32 @!p1 $0x109F, s0  }
0x68: {  	[spmem:s13] =	stream.linear.scatter @!p1 [tilespmem:s2], [sflag:$0x1], $0x1, $0x38;
	[tilespmem:$0x8DC0] =	vst v63  }
0x69: {  	s2 =	simm.s32 @!p1 $0x1  }
0x6a: {  	_ =	swait.ge @!p1 [sflag:s2], $0x1  }
0x6b: {  	s22 =	sshll.u32 s24, $0x4;
	[sflag:s2] =	ssyncset.done @!p1 $0x0  }
0x6c: {  	s25 =	sand.u32 $0x10, s22;
	[sflag:s2] =	ssyncadd.s32 @!p1 $0xFFFFFFFF  }
0x6d: {  	s2 =	sxor.u32 $0x10, s25;
	v4 =	vld [tilespmem:s25+$0x10]  }
0x6e: {  	v5 =	vld [tilespmem:s2+$0x60]  }
0x6f: {  	v3 =	vld [tilespmem:$0x80];
	_ =	sdelay $0x2  }
0x70: {  	(v2sf) =	vpush v4, $0x0  }
0x71: {  	(v2sf) =	vpush v5, $0x0  }
0x72: {  	(v2sf) =	vpush v3, $0x0;
	_ =	sdelay $0xc  }
0x73: {  	s22 =	spop (v2sf)  }
0x74: {  	s26 =	spop (v2sf)  }
0x75: {  	s28 =	spop (v2sf)  }
0x76: {  	p2 =	seq.s32 s22, s26;
	p3 =	seq.s32 s28, s22  }
0x77: {  	p3 =	por p2, p3  }
0x78: {  	s26 =	sand.u32 $0x1, s24;
	v4 =	vpsel p3, $0xFFFFFFFF, v4  }
0x79: {  	s29 =	smul.u32 $0xFA0, s26;
	[tilespmem:s25+$0x10] =	vst.msk $0x1, v4  }
0x7a: {  	v4 =	vld [tilespmem:$0x30]  }
0x7b: {  	v5 =	vld [tilespmem:s29+$0x4F20]  }
0x7c: {  	v6 =	vld [tilespmem:s25+$0x40];
	_ =	sdelay $0x3  }
0x7d: {  	vm4 =	vmmov vm1;
	v5 =	vadd.f32 v5, v4  }
0x7e: {  	vm5 =	vmmov vm2;
	vm4 =	vmmov @p2 vm2;
	s22 =	sshll.u32 s26, $0x4;
	v4 =	vadd.f32 v6, v4  }
0x7f: {  	s26 =	sor.u32 $0x8DA0, s22;
	vm5 =	vmmov @p3 vm1;
	[tilespmem:s29+$0x4F20] =	vst.msk vm4, v5  }
0x80: {  	[tilespmem:s26+$0x0] =	vst.msk vm5, v4  }
0x81: {  	v4 =	vld [tilespmem:s29+$0x3F70];
	_ =	sdelay $0x3  }
0x82: {  	v5 =	vimm.f32 $0.0e+00  }
0x83: {  	v4 =	vshift.insert v4, v5, s21  }
0x84: {  	s22 =	sor.u32 $0x40, s2  }
0x85: {  	[tilespmem:s22+$0x0] =	vst.msk $0x1, v4  }
0x86: {  	[tilespmem:s29+$0x3F7F] =	vst.msk $0x1, v5  }
0x87: {  	v4 =	vld [tilespmem:s0+$0x1090];
	_ =	sdelay $0x1  }
0x88: {  	s22 =	smulhi.u32 $0xAAAAAAAB, s20;
	s0 =	simm.s32 $0x1  }
0x89: {  	s0 =	simm.s32 @!p0 $0x0  }
0x8a: {  	s22 =	sshrl.u32 s22, $0x1;
	s0 =	smul.u32 $0x3E80, s0  }
0x8b: {  	s22 =	smul.u32 $0xFFFF4480, s22;
	v4 =	vshift.insert v4, v1, s21  }
0x8c: {  	s0 =	sshrl.u32 s0, $0x2  }
0x8d: {  	s22 =	sshra.s32 s22, $0x2;
	s30 =	sadd.s32 $0x4F20, s0;
	[tilespmem:s2+$0x10] =	vst.msk $0x1, v4  }
0x8e: {  	s22 =	sadd.s32 s22, s19;
	v6 =	vld [tilespmem:s30+$0x0]  }
0x8f: {  	v7 =	vld [tilespmem:s22+$0x0];
	_ =	sdelay $0x3  }
0x90: {  	v5 =	vadd.f32 v6, v5  }
0x91: {  	vm4 =	vne.s32 v7, $0xFFFFFFFF  }
0x92: {  	(xrf2) =	vadd.seg.scan.f32 vm4, v5;
	_ =	sdelay $0x3  }
0x93: {  	s31 =	sadd.s32 $0x2FE0, s0;
	v5 =	vperm.xlane v4, v1  }
0x94: {  	v6 =	vld [tilespmem:s31+$0x0]  }
0x95: {  	vm5 =	veq.s32 v7, v3;
	vm6 =	veq.s32 v7, v5  }
0x96: {  	vm7 =	vgt.u32 v7, $0xFFFFFFFD;
	vm6 =	vmor vm6, vm5  }
0x97: {  	vm6 =	vmor vm6, vm7  }
0x98: {  	v9 =	vld [tilespmem:$0xA0];
	v7 =	vsel vm6, $0xFFFFFFFF, v7  }
0x99: {  	v10 =	vld [tilespmem:$0x90];
	v6 =	vsel vm5, $0x0, v6;
	v8, _, _ =	vpop (xrf2)  }
0x9a: {  	v6 =	vadd.f32 v8, v6  }
0x9b: {  	s0 =	sadd.s32 $0x6E60, s0  }
0x9c: {  	vm4 =	vmand vm4, vm3;
	[tilespmem:s0+$0x0] =	vst v6;
	(ifvalue) =	ssetifvalue $0xFFFFFFFF  }
0x9d: {  	vm6 =	veq.s32 v9, $0x1;
	[hbm4b:s1+s16] =	stream.indirect_vreg.scatter [tilespmem:s0], [sflag:$0x2], $0x1, v7, vm0, $0x4038;
	v7 =	vsel vm4, $0x0, v8;
	[tilespmem:$0x8DC0] =	vst v63  }
0x9e: {  	s2 =	simm.s32 $0x0;
	s22 =	sadd.s32 $0x10, s22;
	vm4 =	vmor vm6, vm5;
	v6 =	vsel vm5, v8, v10;
	v7 =	vshift.insert v7, v0, s21  }
.LBB2_7:
0x9f: {  	v8 =	vld [tilespmem:s22+$0x0];
	s30 =	sadd.s32 $0x10, s30  }
0xa0: {  	s31 =	sadd.s32 $0x10, s31;
	v9 =	vld [tilespmem:s30+$0x0]  }
0xa1: {  	s2 =	sadd.s32 $0x10, s2;
	v10 =	vld [tilespmem:s31+$0x0]  }
0xa2: {  	p2 =	slt.u32 s2, $0xF90;
	_ =	sdelay $0x2  }
0xa3: {  	v7 =	vadd.f32 v9, v7  }
0xa4: {  	vm5 =	vne.s32 v8, $0xFFFFFFFF  }
0xa5: {  	vm6 =	vmand vm5, vm3;
	(xrf2) =	vadd.seg.scan.f32 vm5, v7;
	_ =	sdelay $0x5  }
0xa6: {  	vm7 =	veq.s32 v8, v5;
	vm5 =	veq.s32 v8, v3  }
0xa7: {  	vm8 =	vgt.u32 v8, $0xFFFFFFFD;
	vm4 =	vmor vm4, vm5;
	vm7 =	vmor vm7, vm5  }
0xa8: {  	vm7 =	vmor vm7, vm8  }
0xa9: {  	v8 =	vsel vm7, $0xFFFFFFFF, v8  }
.Ltmp5:
0xaa: {  	v7 =	vsel vm5, $0x0, v10;
	v9, _, _ =	vpop (xrf2);
	(pc) =	sbr.rel @p2 .LBB2_7-.Ltmp5, $4  }
0xab: {  	v6 =	vsel vm5, v9, v6;
	v10 =	vadd.f32 v9, v7;
	v7 =	vsel vm6, $0x0, v9  }
0xac: {  	s0 =	sadd.s32 $0x10, s0;
	v7 =	vshift.insert v7, v0, s21  }
0xad: {  	s22 =	sadd.s32 $0x10, s22;
	[tilespmem:s0+$0x0] =	vst v10;
	(ifvalue) =	ssetifvalue $0xFFFFFFFF  }
0xae: {  	[hbm4b:s1+s16] =	stream.indirect_vreg.scatter [tilespmem:s0], [sflag:$0x2], $0x1, v8, vm0, $0x4038;
	[tilespmem:$0x8DC0] =	vst v63  }
0xaf: {  	v3 =	vld [tilespmem:s29+$0x7DF0];
	_ =	sdelay $0x4  }
0xb0: {  	v3 =	vshift.insert v3, v0, s21  }
0xb1: {  	s0 =	simm.s32 $0x30  }
0xb2: {  	[tilespmem:s0+$0x0] =	vst.msk $0x1, v3  }
0xb3: {  	v3 =	vsel vm4, $0x1, v1;
	[tilespmem:$0x90] =	vst v6  }
0xb4: {  	s0 =	sadd.s32 @!p1 $0x7DFF, s29;
	[tilespmem:$0xA0] =	vst v3  }
0xb5: {  	[spmem:s14] =	stream.linear.scatter @!p1 [tilespmem:s0], [sflag:$0x1], $0x1, $0x38;
	[tilespmem:$0x8DC0] =	vst v63  }
0xb6: {  	s0 =	simm.s32 @!p1 $0x1  }
0xb7: {  	v3 =	vmctz.xlane @!p1 vm4;
	_ =	swait.ge @!p1 [sflag:s0], $0x1  }
0xb8: {  	(v2sf) =	vpush @!p1 v4, $0x0  }
0xb9: {  	(v2sf) =	vpush @!p1 v3, $0x0;
	_ =	sdelay $0xd  }
0xba: {  	s2 =	spop @!p1 (v2sf)  }
0xbb: {  	s22 =	spop @!p1 (v2sf)  }
0xbc: {  	p2 =	sne.s32 @!p1 s28, s2;
	p3 =	slt.s32 @!p1 s22, $0xF  }
0xbd: {  	[sflag:s0] =	ssyncset.done @!p1 $0x0;
	p2 =	por p2, p1;
	p3 =	por !p3, p1  }
0xbe: {  	[sflag:s0] =	ssyncadd.s32 @!p1 $0xFFFFFFFF;
	v3 =	vimm.s32 @!p2 $0xFFFFFFFF;
	s22 =	simm.s32 @p3 $0xF  }
0xbf: {  	[tilespmem:$0x80] =	vst @!p2 v3;
	s2 =	sadd.s32 @!p1 $0x90, s22  }
0xc0: {  	[spmem:s10] =	stream.linear.scatter @!p1 [tilespmem:s2], [sflag:$0x1], $0x1, $0x38;
	[tilespmem:$0x8DC0] =	vst v63  }
0xc1: {  	_ =	swait.ge @!p1 [sflag:s0], $0x1  }
0xc2: {  	[sflag:s0] =	ssyncset.done @!p1 $0x0  }
0xc3: {  	s2 =	simm.s32 @!p1 $0x80;
	[sflag:s0] =	ssyncadd.s32 @!p1 $0xFFFFFFFF  }
0xc4: {  	[spmem:s15] =	stream.linear.scatter @!p1 [tilespmem:s2], [sflag:$0x1], $0x1, $0x38;
	[tilespmem:$0x8DC0] =	vst v63  }
0xc5: {  	_ =	swait.ge @!p1 [sflag:s0], $0x1  }
0xc6: {  	[sflag:s0] =	ssyncset.done @!p1 $0x0  }
0xc7: {  	[sflag:s0] =	ssyncadd.s32 @!p1 $0xFFFFFFFF;
	(ifvalue) =	ssetifvalue $0xFFFFFFFF;
	v3 =	vld [tilespmem:s25+$0x10];
	_ =	sdelay $0x3  }
.Ltmp6:
0xc8: {  	_ = 	snop;
	(pc) =	sbr.rel .LBB2_9-.Ltmp6, $3  }
0xc9: {  	_ =	sdelay $0x1  }
0xca: {  	(ifvalue) =	ssetifvalue $0xFFFFFFFF  }
0xcb: {  	[hbm4b:s1+s16] =	stream.indirect_vreg.scatter [tilespmem:s26], [sflag:$0x9], $0x1, v3, vm0, $0x4038;
	[tilespmem:$0x8DC0] =	vst v63  }
.LBB2_10:
0xcc: {  	_ =	sfence.sel $0x180000  }
0xcd: {  	s0 =	simm.s32 $0x7;
	[bflag:$0x0] =	sbarrier.arrive $0xFFFF  }
0xce: {  	s26 =	simm.s32 $0x8;
	[sflag:s0] =	ssyncpa.u1 $0x1  }
0xcf: {  	s28 =	simm.s32 $0x9;
	[sflag:s26] =	ssyncpa.u1 $0x1  }
0xd0: {  	[sflag:s28] =	ssyncpa.u1 $0x1  }
0xd1: {  	_ =	sfence.stream.spmem  }
0xd2: {  	s29 =	simm.s32 $0x3;
	[bflag:$0x0] =	sbarrier.arrive $0xFFFF  }
0xd3: {  	s30 =	simm.s32 $0x4;
	[sflag:s29] =	ssyncpa.u1 $0x1  }
0xd4: {  	s31 =	simm.s32 $0x3C;
	s2 =	stileid.u32;
	[sflag:s30] =	ssyncpa.u1 $0x1  }
0xd5: {  	p0 =	sne.s32 s2, $0x0;
	[sflag:s31] =	ssyncpa.u1 $0x1  }
0xd6: {  	s0 =	simm.s32 @p0 $0x1;
	_ =	sfence @p0  }
0xd7: {  	[sflag:s0] =	ssyncpa.u1 @p0 $0x1;
	s0 =	simm.s32 @p0 $0x2  }
0xd8: {  	[sflag:s0] =	ssyncpa.u1 @p0 $0x1  }
0xd9: {  	_ =	strace @p0 $0x9000004D  }
0xda: {  	[bflag:$0x2] =	sbarrier.arrive @p0 $0xFFFF  }
0xdb: {  	_ =	shalt @p0  }
.LBB2_11:
0xdc: {  	_ =	sfence.stream.spmem;
	s0 =	simm.s32 $0x5  }
0xdd: {  	s2 =	simm.s32 $0x80;
	s3 =	simm.s32 $0xC0;
	[sflag:s0] =	ssyncpa.u1 $0x0  }
0xde: {  	[tilespmem:s3], [sflag:$0x5] =	stream.linear.gather [spmem:s2], $0x20, $0x38;
	[tilespmem:$0x8DC0] =	vst v63  }
0xdf: {  	s2 =	simm.s32 $0x0;
	s3 =	simm.s32 $0xE0  }
0xe0: {  	[tilespmem:s3], [sflag:$0x5] =	stream.linear.gather [spmem:s2], $0x20, $0x38;
	[tilespmem:$0x8DC0] =	vst v63  }
.Ltmp7:
0xe1: {  	_ = 	snop;
	(pc) =	sbr.rel .LBB2_12-.Ltmp7, $4  }
0xe2: {  	_ =	swait.ge [sflag:s0], $0x40  }
0xe3: {  	[sflag:s0] =	ssyncset.done $0x0  }
0xe4: {  	s31 =	simm.s32 $0x6;
	[sflag:s0] =	ssyncadd.s32 $0xFFFFFFC0  }
0xe5: {  	s4 =	simm.s32 $0x0;
	[sflag:s31] =	ssyncpa.u1 $0x0  }
.LBB2_17:
0xe6: {  	p0 =	sgt.u32 s5, $0x3FFFFF  }
0xe7: {  	s0 =	sshrl.u32 @!p0 s5, $0x3  }
0xe8: {  	s5 =	sand.u32 @!p0 $0x7, s5;
	s6 =	simm.s32 @!p0 $0xB0;
	s0 =	sadd.s32 @!p0 s1, s0  }
0xe9: {  	[tilespmem:s6], [sflag:$0x6] =	stream.linear.gather @!p0 [hbm4b:s0+s5], $0x1, $0x38;
	[tilespmem:$0x8DC0] =	vst v63  }
0xea: {  	s0 =	simm.s32 @!p0 $0x6  }
0xeb: {  	_ =	swait.ge @!p0 [sflag:s0], $0x1  }
0xec: {  	[sflag:s0] =	ssyncset.done @!p0 $0x0  }
0xed: {  	[sflag:s0] =	ssyncadd.s32 @!p0 $0xFFFFFFFF  }
0xee: {  	v2 =	vmov @!p0 s4;
	v1 =	vld.msk @!p0 [tilespmem:$0xB0], $0x1;
	_ =	sdelay $0x3  }
0xef: {  	s0 =	simm.s32 @!p0 $0xE0  }
0xf0: {  	[tilespmem:v2+s0+$0x0], v1 =	vst.idx.ret.add.f32.msk @!p0 $0x1, v1  }
0xf1: {  	[tilespmem:s2+$0xC0] =	vst.msk $0x1, v0  }
0xf2: {  	v0 =	vld.msk [tilespmem:s4+$0xE0], $0x1;
	_ =	sdelay $0x4  }
0xf3: {  	[tilespmem:s2+$0xE0] =	vst.msk $0x1, v0;
	s2 =	sadd.s32 $0x1, s2  }
.LBB2_19:
0xf4: {  	s4 =	sadd.s32 $0x1, s4  }
0xf5: {  	p0 =	sne.s32 s4, $0x20  }
.Ltmp8:
0xf6: {  	_ = 	snop;
	(pc) =	sbr.rel @!p0 .LBB2_20-.Ltmp8, $1  }
0xf7: {  	_ =	sdelay $0x3  }
.LBB2_12:
0xf8: {  	v0 =	vld.msk [tilespmem:s4+$0xC0], $0x1;
	_ =	sdelay $0x4  }
0xf9: {  	(v2sf) =	vpush v0, $0x0;
	_ =	sdelay $0xe  }
0xfa: {  	s5 =	spop (v2sf)  }
0xfb: {  	p0 =	seq.s32 s5, $0xFFFFFFFF  }
.Ltmp9:
0xfc: {  	_ = 	snop;
	(pc) =	sbr.rel @p0 .LBB2_19-.Ltmp9, $1  }
0xfd: {  	_ =	sdelay $0x3  }
0xfe: {  	p0 =	slt.s32 s2, $0x1  }
.Ltmp10:
0xff: {  	_ = 	snop;
	(pc) =	sbr.rel @p0 .LBB2_17-.Ltmp10, $1  }
0x100: {  	_ =	sdelay $0x3  }
0x101: {  	s0 =	simm.s32 $0xC0;
	p0 =	por $0x0, $0x0  }
0x102: {  	v1 =	vld.msk @!p0 [tilespmem:s0+$0x0], $0x1;
	_ =	sdelay $0x4  }
0x103: {  	(v2sf) =	vpush @!p0 v1, $0x0;
	_ =	sdelay $0xd  }
0x104: {  	p2 =	sne.s32 s2, $0x1  }
.Ltmp11:
0x105: {  	s6 =	spop @!p0 (v2sf);
	(pc) =	sbr.rel @!p2 .LBB2_16-.Ltmp11, $4  }
0x106: {  	p1 =	seq.s32 @!p0 s5, s6  }
0x107: {  	s6 =	simm.s32 $0x0;
	p1 =	por !p1, p0  }
0x108: {  	s8 =	simm.s32 $0xFFFFFFFF;
	s6 =	simm.s32 @p1 $0xFFFFFFFF  }
0x109: {  	s7 =	simm.s32 $0x1;
	s6 =	smov.u32 @p0 s8  }
.LBB2_15:
0x10a: {  	s8 =	smov.u32 s6;
	p0 =	sne.s32 s6, $0xFFFFFFFF  }
0x10b: {  	s0 =	sadd.s32 $0x1, s0;
	s6 =	smov.u32 s7;
	s7 =	sadd.s32 $0x1, s7  }
0x10c: {  	p1 =	sne.s32 s2, s7;
	v1 =	vld.msk @!p0 [tilespmem:s0+$0x0], $0x1;
	_ =	sdelay $0x4  }
0x10d: {  	(v2sf) =	vpush @!p0 v1, $0x0;
	_ =	sdelay $0xe  }
.Ltmp12:
0x10e: {  	s9 =	spop @!p0 (v2sf);
	(pc) =	sbr.rel @p1 .LBB2_15-.Ltmp12, $4  }
0x10f: {  	p2 =	seq.s32 @!p0 s5, s9  }
0x110: {  	p2 =	por !p2, p0  }
0x111: {  	s6 =	simm.s32 @p2 $0xFFFFFFFF  }
0x112: {  	s6 =	smov.u32 @p0 s8  }
.LBB2_16:
0x113: {  	p0 =	sne.s32 s6, $0xFFFFFFFF  }
.Ltmp13:
0x114: {  	_ = 	snop;
	(pc) =	sbr.rel @!p0 .LBB2_17-.Ltmp13, $1  }
0x115: {  	_ =	sdelay $0x3  }
0x116: {  	v0 =	vld.msk [tilespmem:s4+$0xE0], $0x1;
	v1 =	vmov s6  }
.Ltmp14:
0x117: {  	_ = 	snop;
	(pc) =	sbr.rel .LBB2_19-.Ltmp14, $2  }
0x118: {  	_ =	sdelay $0x2  }
0x119: {  	[tilespmem:v1+s3+$0x0], v0 =	vst.idx.ret.add.f32.msk $0x1, v0  }
.LBB2_20:
0x11a: {  	p0 =	slt.s32 s2, $0x1  }
.Ltmp15:
0x11b: {  	_ = 	snop;
	(pc) =	sbr.rel @p0 .LBB2_24-.Ltmp15, $3  }
0x11c: {  	_ =	sdelay $0x1  }
0x11d: {  	s0 =	simm.s32 $0x6  }
0x11e: {  	s3 =	simm.s32 $0x0;
	[sflag:s0] =	ssyncpa.u1 $0x1  }
0x11f: {  	s0 =	simm.s32 $0xC0  }
0x120: {  	v0 =	vld.msk [tilespmem:s0+$0x0], $0x1;
	_ =	sdelay $0x4  }
0x121: {  	(v2sf) =	vpush v0, $0x0;
	_ =	sdelay $0xe  }
0x122: {  	s2 =	sadd.s32 $0xFFFFFFFF, s2;
	s4 =	spop (v2sf)  }
0x123: {  	p1 =	sne.s32 s2, $0x0;
	p0 =	sgt.u32 s4, $0x3FFFFF  }
.Ltmp16:
0x124: {  	s5 =	sshrl.u32 @!p0 s4, $0x3;
	(pc) =	sbr.rel @!p1 .LBB2_23-.Ltmp16, $4  }
0x125: {  	s0 =	simm.s32 $0xE0;
	s4 =	sand.u32 @!p0 $0x7, s4;
	s5 =	sadd.s32 @!p0 s1, s5  }
0x126: {  	[hbm4b:s5+s4] =	stream.linear.scatter @!p0 [tilespmem:s0], [sflag:$0x5], $0x1, $0x38;
	[tilespmem:$0x8DC0] =	vst v63  }
0x127: {  	s5 =	simm.s32 $0x0  }
0x128: {  	s4 =	simm.s32 $0xC1;
	s5 =	simm.s32 @!p0 $0x4  }
.LBB2_22:
0x129: {  	v0 =	vld.msk [tilespmem:s4+$0x0], $0x1;
	s2 =	sadd.s32 $0xFFFFFFFF, s2;
	s3 =	sadd.s32 s3, s5  }
0x12a: {  	p0 =	sne.s32 s2, $0x0;
	_ =	sdelay $0x3  }
0x12b: {  	(v2sf) =	vpush v0, $0x0;
	_ =	sdelay $0xe  }
.Ltmp17:
0x12c: {  	s6 =	spop (v2sf);
	(pc) =	sbr.rel @p0 .LBB2_22-.Ltmp17, $4  }
0x12d: {  	s5 =	simm.s32 $0x0;
	p1 =	sgt.u32 s6, $0x3FFFFF  }
0x12e: {  	s0 =	sadd.s32 $0x1, s0;
	s5 =	simm.s32 @!p1 $0x4;
	s7 =	sshrl.u32 @!p1 s6, $0x3  }
0x12f: {  	s4 =	sadd.s32 $0x1, s4;
	s6 =	sand.u32 @!p1 $0x7, s6;
	s7 =	sadd.s32 @!p1 s1, s7  }
0x130: {  	[hbm4b:s7+s6] =	stream.linear.scatter @!p1 [tilespmem:s0], [sflag:$0x5], $0x1, $0x38;
	[tilespmem:$0x8DC0] =	vst v63  }
.LBB2_23:
0x131: {  	s0 =	sadd.s32 s3, s5  }
0x132: {  	s3 =	sshrl.u32 s0, $0x2  }
.LBB2_24:
0x133: {  	s0 =	simm.s32 $0x5  }
0x134: {  	_ =	swait.ge [sflag:s0], s3  }
0x135: {  	s1 =	ssub.s32 $0x0, s3;
	[sflag:s0] =	ssyncset.done $0x0  }
0x136: {  	[sflag:s0] =	ssyncadd.s32 s1  }
0x137: {  	[sflag:s0] =	ssyncpa.u1 $0x1  }
0x138: {  	s29 =	simm.s32 $0x1;
	_ =	sfence  }
0x139: {  	s30 =	simm.s32 $0x2;
	[sflag:s29] =	ssyncpa.u1 $0x1  }
0x13a: {  	[sflag:s30] =	ssyncpa.u1 $0x1  }
0x13b: {  	_ =	strace $0x9000004D  }
0x13c: {  	[bflag:$0x2] =	sbarrier.arrive $0xFFFF  }
0x13d: {  	s31 =	rddreg [dreg:$0x1]  }
0x13e: {  	s0 =	sadd.s32 $0x100000, s31  }
0x13f: {  	[sflag:s0] =	ssyncadd.tile.s32 $0x1;
	_ =	shalt  }
.Lfunc_end2:
_tile_overlayer_lowered:
.L_overlay_start_2:
0x140: {  	(tag) =	ssettag $0x2  }
0x141: {  	s0 =	rddreg [dreg:$0x0];
	s2 =	stileid.u32  }
0x142: {  	s1 =	rddreg [dreg:$0x1];
	p0 =	sne.s32 s2, $0x0  }
0x143: {  	s3 =	rddreg [dreg:$0x2];
	[bflag:$0x3] =	sbarrier.arrive $0xFFFF;
	s2 =	simm.s32 @!p0 $0x1C01  }
0x144: {  	[timem:s3], [sflag:s2] =	dma.local @!p0 [hbm:s0], s1  }
0x145: {  	s0 =	simm.s32 @!p0 $0x1  }
0x146: {  	_ =	swait.ge @!p0 [sflag:s0], s1  }
0x147: {  	s1 =	ssub.s32 @!p0 $0x0, s1;
	[sflag:s0] =	ssyncset.done @!p0 $0x0  }
0x148: {  	[sflag:s0] =	ssyncadd.s32 @!p0 s1  }
0x149: {  	[bflag:$0x3] =	sbarrier.arrive $0xFFFF  }
0x14a: {  	_ =	shalt  }

// kernel: scatter_offload_async_start
scs
__scs_entry_jumppad:
0x0: {  	(pc) =	sbr.rel $0x88, $3  }
0x1: {  	(tag) =	ssettag $0x0;
	lr =	simm.s32 $0x1  }
0x2: {  	[smem:$0x3F96] =	sst lr;
	_ =	strace $0xD0000000  }
0x3: {  	_ = 	snop  }
0x4: {  	_ = 	snop  }
0x5: {  	_ = 	snop  }
0x6: {  	_ = 	snop  }
0x7: {  	_ = 	snop  }
__scs_overlays_trampoline_lowered:
0x8: {  	[smem:$0x3FA5] =	sst s0  }
0x9: {  	[smem:$0x3FA6] =	sst s1  }
0xa: {  	[smem:$0x3FA7] =	sst s2  }
0xb: {  	[smem:$0x3FA8] =	sst s3  }
0xc: {  	[smem:$0x3FA9] =	sst s4  }
0xd: {  	[smem:$0x3FAA] =	sst s5  }
0xe: {  	[smem:$0x3FAB] =	sst s6  }
0xf: {  	[smem:$0x3FAC] =	sst s7  }
0x10: {  	[smem:$0x3FAD] =	sst s8  }
0x11: {  	[smem:$0x3FAE] =	sst s9;
	s0 =	simm.s32 @!p0 $0x0  }
0x12: {  	s1 =	sld [smem:$0x3F94];
	s0 =	simm.s32 @p0 $0x1  }
0x13: {  	[smem:$0x3FAF] =	sst s0;
	s0 =	simm.s32 @!p1 $0x0  }
0x14: {  	s2 =	sld [smem:$0x3F93];
	s0 =	simm.s32 @p1 $0x1  }
0x15: {  	[smem:$0x3FB0] =	sst s0;
	s0 =	simm.s32 @!p2 $0x0  }
0x16: {  	s3 =	sld [smem:$0x3FDB];
	s0 =	simm.s32 @p2 $0x1  }
0x17: {  	s4 =	simm.s32 $0x1BF5;
	[smem:$0x3FB2] =	sst s0  }
0x18: {  	s0 =	sld [smem:$0x3F95];
	_ =	swait.ge [sflag:s4], $0x0  }
0x19: {  	s7 =	sld [smem:$0x3F96]  }
0x1a: {  	s8 =	sadd.s32 $0xFFFFE003, lr  }
0x1b: {  	s9 =	sadd.s32 $0xFFFFFEF7, lr;
	s5 =	simm.s32 $0xFFFFFFFF;
	p2 =	slt.u32 s8, $0xFFFFF086  }
0x1c: {  	p1 =	slt.u32 s9, $0xF7A;
	s5 =	simm.s32 @!p2 $0x0  }
0x1d: {  	s5 =	simm.s32 @p1 $0x1;
	p0 =	seq.s32 s7, s2  }
0x1e: {  	s7 =	smul.u32 @!p0 $0xF7A, s2;
	p2 =	seq.s32 @!p0 s5, $0x0  }
0x1f: {  	s9 =	smul.u32 $0xF7A, s1;
	s8 =	simm.s32 @!p0 $0x1BF5;
	p2 =	por !p2, p0  }
0x20: {  	[sflag:s8] =	ssyncset.s32 @!p0 $0xFFFFF086;
	s6 =	sadd.s32 @!p0 s3, s7;
	s7 =	simm.s32 @!p0 $0x108  }
0x21: {  	s3 =	sadd.s32 s3, s9;
	s6 =	sadd.s32 @!p0 $0x88, s6;
	s7 =	simm.s32 @p2 $0x1082  }
0x22: {  	[simem:s7], [sflag:s8] =	dma.local @!p0 [hbm:s6], $0xF7A  }
0x23: {  	s9 =	sor.u32 $0xD0000000, s2;
	s6 =	simm.s32 $0x108;
	_ =	swait.ge @!p0 [sflag:s8], $0x0  }
0x24: {  	s3 =	sadd.s32 $0x88, s3;
	s6 =	simm.s32 @!p1 $0x1082;
	[sflag:s4] =	ssyncset.s32 $0xFFFFF086  }
0x25: {  	[simem:s6], [sflag:s4] =	dma.local [hbm:s3], $0xF7A  }
0x26: {  	[smem:$0x3F96] =	sst s1;
	(tag) =	ssettag s2;
	_ =	strace s9  }
0x27: {  	s1 =	sld [smem:$0x3FA6]  }
0x28: {  	s2 =	sld [smem:$0x3FA7]  }
0x29: {  	s4 =	sld [smem:$0x3FA9]  }
0x2a: {  	p0 =	seq.s32 s5, $0x0;
	s5 =	sld [smem:$0x3FAA]  }
0x2b: {  	s6 =	sld [smem:$0x3FAB]  }
0x2c: {  	s7 =	sld [smem:$0x3FAC]  }
0x2d: {  	s3 =	simm.s32 $0x108;
	s8 =	sld [smem:$0x3FAD]  }
0x2e: {  	s3 =	simm.s32 @!p0 $0x1082;
	s9 =	sld [smem:$0x3FAE]  }
0x2f: {  	lr =	sadd.s32 s0, s3;
	s0 =	sld [smem:$0x3FA5]  }
0x30: {  	s3 =	sld [smem:$0x3FA8]  }
0x31: {  	[smem:$0x3FB1] =	sst s10  }
0x32: {  	s10 =	sld [smem:$0x3FAF];
	_ =	sdelay $0x3  }
0x33: {  	p0 =	seq.s32 s10, $0x1;
	s10 =	sld [smem:$0x3FB1];
	_ =	sdelay $0x3  }
0x34: {  	[smem:$0x3FB1] =	sst s10  }
0x35: {  	s10 =	sld [smem:$0x3FB0];
	_ =	sdelay $0x3  }
0x36: {  	p1 =	seq.s32 s10, $0x1;
	s10 =	sld [smem:$0x3FB1];
	_ =	sdelay $0x3  }
0x37: {  	[smem:$0x3FB1] =	sst s10  }
0x38: {  	s10 =	sld [smem:$0x3FB2]  }
0x39: {  	_ = 	snop;
	(pc) =	sbr.ind lr, $3  }
0x3a: {  	_ = 	snop  }
0x3b: {  	_ = 	snop  }
0x3c: {  	p2 =	seq.s32 s10, $0x1;
	s10 =	sld [smem:$0x3FB1]  }
0x3d: {  	_ =	shalt  }
0x3e: {  	_ =	shalt  }
0x3f: {  	_ =	shalt  }
0x40: {  	_ =	shalt  }
0x41: {  	_ =	shalt  }
0x42: {  	_ =	shalt  }
0x43: {  	_ =	shalt  }
0x44: {  	_ =	shalt  }
0x45: {  	_ =	shalt  }
0x46: {  	_ =	shalt  }
0x47: {  	_ =	shalt  }
0x48: {  	_ =	shalt  }
0x49: {  	_ =	shalt  }
0x4a: {  	_ =	shalt  }
0x4b: {  	_ =	shalt  }
0x4c: {  	_ =	shalt  }
0x4d: {  	_ =	shalt  }
0x4e: {  	_ =	shalt  }
0x4f: {  	_ =	shalt  }
0x50: {  	_ =	shalt  }
0x51: {  	_ =	shalt  }
0x52: {  	_ =	shalt  }
0x53: {  	_ =	shalt  }
0x54: {  	_ =	shalt  }
0x55: {  	_ =	shalt  }
0x56: {  	_ =	shalt  }
0x57: {  	_ =	shalt  }
0x58: {  	_ =	shalt  }
0x59: {  	_ =	shalt  }
0x5a: {  	_ =	shalt  }
0x5b: {  	_ =	shalt  }
0x5c: {  	_ =	shalt  }
0x5d: {  	_ =	shalt  }
0x5e: {  	_ =	shalt  }
0x5f: {  	_ =	shalt  }
0x60: {  	_ =	shalt  }
0x61: {  	_ =	shalt  }
0x62: {  	_ =	shalt  }
0x63: {  	_ =	shalt  }
0x64: {  	_ =	shalt  }
0x65: {  	_ =	shalt  }
0x66: {  	_ =	shalt  }
0x67: {  	_ =	shalt  }
0x68: {  	_ =	shalt  }
0x69: {  	_ =	shalt  }
0x6a: {  	_ =	shalt  }
0x6b: {  	_ =	shalt  }
0x6c: {  	_ =	shalt  }
0x6d: {  	_ =	shalt  }
0x6e: {  	_ =	shalt  }
0x6f: {  	_ =	shalt  }
0x70: {  	_ =	shalt  }
0x71: {  	_ =	shalt  }
0x72: {  	_ =	shalt  }
0x73: {  	_ =	shalt  }
0x74: {  	_ =	shalt  }
0x75: {  	_ =	shalt  }
0x76: {  	_ =	shalt  }
0x77: {  	_ =	shalt  }
0x78: {  	_ =	shalt  }
0x79: {  	_ =	shalt  }
0x7a: {  	_ =	shalt  }
0x7b: {  	_ =	shalt  }
0x7c: {  	_ =	shalt  }
0x7d: {  	_ =	shalt  }
0x7e: {  	_ =	shalt  }
0x7f: {  	_ =	shalt  }
0x80: {  	_ =	shalt  }
0x81: {  	_ =	shalt  }
0x82: {  	_ =	shalt  }
0x83: {  	_ =	shalt  }
0x84: {  	_ =	shalt  }
0x85: {  	_ =	shalt  }
0x86: {  	_ =	shalt  }
0x87: {  	_ =	shalt  }
.Lfunc_end0:
.L_simem_size_0:
called_computation_lowered:
.L_overlay_start_0:
0x88: {  	s0 =	sld [smem:$0x3FD9]  }
0x89: {  	s1 =	sld [smem:$0x3FFE];
	_ =	sdelay $0x3  }
0x8a: {  	s0 =	sadd.s32 s1, s0  }
0x8b: {  	[smem:$0x3FBD] =	sst s0  }
0x8c: {  	_ = 	snop  }
0x8d: {  	(tm) =	ssettm $0x1  }
0x8e: {  	s14 =	sld [smem:$0x3FFB];
	_ =	sdelay $0x3  }
0x8f: {  	_ =	strace s14  }
0x90: {  	s0 =	sld [smem:$0x3FFC];
	_ =	sdelay $0x3  }
0x91: {  	_ =	strace s0  }
0x92: {  	s0 =	sld [smem:$0x3FFD];
	_ =	sdelay $0x3  }
0x93: {  	_ =	strace s0  }
0x94: {  	_ =	strace $0x8FFFFFFF  }
0x95: {  	s15 =	sld [smem:$0x3FDB];
	_ =	sdelay $0x1  }
0x96: {  	s16 =	simm.s32 $_scs_section_size  }
0x97: {  	s2 =	simm.s32 $_size__tile_overlayer_lowered;
	s3 =	simm.s32 $_tile_overlayer_lowered  }
0x98: {  	s4 =	simm.s32 $0x1BFF;
	s17 =	sshll.u32 s3, $0x1;
	s1 =	sadd.s32 s16, s15  }
0x99: {  	s18 =	simm.s32 $0x0;
	s2 =	sshll.u32 s2, $0x1;
	s3 =	sadd.s32 s17, s1  }
0x9a: {  	[timem:s18], [sflag:s4] =	dma.local [hbm:s3], s2  }
0x9b: {  	_ =	swait.ge [sflag:s4], s2  }
0x9c: {  	s2 =	ssub.s32 $0x0, s2;
	[sflag:s4] =	ssyncset.done $0x0  }
0x9d: {  	[sflag:s4] =	ssyncadd.s32 s2;
	_ =	sdelay $0x1  }
0x9e: {  	s19 =	simm.s32 $0x1B8B  }
0x9f: {  	_ =	swait.ge [sflag:s19], $0x1  }
0xa0: {  	[sflag:s19] =	ssyncset.done $0x0  }
0xa1: {  	s21 =	simm.s32 $0x1B8E;
	s20 =	sld [smem:$0x3FFE];
	[sflag:s19] =	ssyncadd.s32 $0xFFFFFFFF  }
0xa2: {  	s22 =	simm.s32 $execute0_lowered;
	[smem:$0x3FD2] =	sst s21  }
0xa3: {  	s3 =	sshll.u32 s22, $0x1;
	_ =	strace $0x80000046;
	[dreg:$0x1] =	wrdreg $0xFFFFFFFF  }
0xa4: {  	s23 =	simm.s32 $_size_execute0_lowered;
	s3 =	sadd.s32 s1, s3;
	[dreg:$0x0] =	wrdreg $0x0  }
0xa5: {  	s4 =	sshll.u32 s23, $0x1;
	[dreg:$0x2] =	wrdreg s3  }
0xa6: {  	[dreg:$0x3] =	wrdreg s4  }
0xa7: {  	[dreg:$0x4] =	wrdreg $0xC0  }
0xa8: {  	s24 =	simm.s32 $execute1_lowered;
	_ =	task [dreg:s18], $0x5FFFF  }
0xa9: {  	s3 =	sshll.u32 s24, $0x1;
	[dreg:$0x1] =	wrdreg $0xFFFFFFFF  }
0xaa: {  	s1 =	sadd.s32 s1, s3;
	[dreg:$0x0] =	wrdreg $0x60  }
0xab: {  	[dreg:$0x2] =	wrdreg s1  }
0xac: {  	[dreg:$0x3] =	wrdreg s20  }
0xad: {  	[dreg:$0x4] =	wrdreg $0x9  }
0xae: {  	_ =	task.clear_ibuf [dreg:s18], $0x5FFFF;
	_ =	strace $0x90000046  }
0xaf: {  	s25 =	simm.s32 $0x9;
	_ =	strace $0x80000048  }
0xb0: {  	_ =	swait.ge [sflag:s25], $0x1  }
0xb1: {  	[sflag:s25] =	ssyncadd.s32 $0xFFFFFFFF  }
0xb2: {  	_ =	strace $0x90000048  }
0xb3: {  	_ =	strace $0x80000049;
	[dreg:$0x1] =	wrdreg $0xFFFFFFFF  }
0xb4: {  	[dreg:$0x0] =	wrdreg $0x2030  }
0xb5: {  	[dreg:$0x2] =	wrdreg s20  }
0xb6: {  	[dreg:$0x3] =	wrdreg $0xA  }
0xb7: {  	_ =	task.clear_ibuf [dreg:s18], $0x4FFFF;
	_ =	strace $0x90000049  }
0xb8: {  	s26 =	simm.s32 $0xA;
	_ =	strace $0x8000004B  }
0xb9: {  	_ =	swait.ge [sflag:s26], $0x1  }
0xba: {  	[sflag:s26] =	ssyncadd.s32 $0xFFFFFFFF  }
0xbb: {  	_ =	strace $0x9000004B  }
0xbc: {  	_ =	sfence  }
0xbd: {  	s28 =	sld [smem:$0x0];
	_ =	sdelay $0x1  }
0xbe: {  	s29 =	srdreg.scid  }
0xbf: {  	s30 =	sshll.u32 s29, $0xD;
	s31 =	sshrl.u32 s29, $0x2  }
0xc0: {  	s2 =	sand.u32 $0x1, s29;
	s3 =	sand.u32 $0x4000, s30;
	s1 =	sadd.s32 s31, s28  }
0xc1: {  	s2 =	sor.u32 s3, s2;
	s1 =	sshll.u32 s1, $0x11  }
0xc2: {  	s1 =	sor.u32 s1, s2  }
0xc3: {  	s1 =	sadd.s32 $0x8F2B, s1  }
0xc4: {  	[sflag:s1] =	ssyncadd.remote.s32 $0x1  }
0xc5: {  	_ =	sfence.sel $0xFFFF  }
0xc6: {  	[dreg:$0x0] =	wrdreg $0xFFFFFFFF;
	(pc) =	sbr.abs _section_cstart, $3  }
0xc7: {  	[dreg:$0x1] =	wrdreg $0xFFFFFFFF  }
0xc8: {  	_ =	task.clear_ibuf [dreg:s18], $0x2FFFF;
	_ =	strace $0x9FFFFFFF  }
0xc9: {  	(tm) =	ssettm $0x7FFFFFFF  }
tec
execute0_lowered:
.L_overlay_start_1:
0x0: {  	(tag) =	ssettag $0x1  }
0x1: {  	s2 =	rddreg [dreg:$0x0]  }
0x2: {  	s6 =	rddreg [dreg:$0x1]  }
0x3: {  	s0 =	rddreg [dreg:$0x2];
	s3 =	stileid.u32  }
0x4: {  	[bflag:$0x3] =	sbarrier.arrive $0xFFFF;
	s1 =	simm.s32 $_size_execute1_lowered;
	p0 =	sne.s32 s3, $0x0  }
0x5: {  	s1 =	sshll.u32 s1, $0x1;
	s4 =	simm.s32 @!p0 $0x1C3F;
	s5 =	simm.s32 @!p0 $0x4060  }
0x6: {  	[timem:s5], [sflag:s4] =	dma.local @!p0 [hbm:s2], s1  }
0x7: {  	s7 =	simm.s32 $0x1;
	s8 =	simm.s32 $0x2;
	s2 =	sshll.u32 s3, $0xE  }
0x8: {  	s10 =	simm.s32 $0x0;
	s9 =	simm.s32 $0x0;
	s30 =	ssub.s32 $0x400000, s2  }
.Ltmp0:
0x9: {  	s3 =	sadd.s32 $0x9600, s6;
	s31 =	sand.u32 $0x3C000, s30;
	(pc) =	sbr.rel .LBB2_1-.Ltmp0, $4  }
0xa: {  	s4 =	simm.s32 $0x1;
	_ =	strace $0x80000047;
	p1 =	sne.s32 s31, $0x0  }
0xb: {  	s5 =	sshrl.u32 s30, $0x12;
	[sflag:s4] =	ssyncpa.u1 $0x0;
	s7 =	simm.s32 @!p1 $0x0  }
0xc: {  	s6 =	sadd.s32 $0x89600, s6;
	[sflag:s8] =	ssyncpa.u1 $0x0;
	s5 =	sadd.s32 s7, s5  }
0xd: {  	s8 =	smov.u32 s2;
	p1 =	por $0x0, $0x0;
	s7 =	sadd.s32 $0x1, s5  }
.LBB2_4:
0xe: {  	[tilespmem:s11+$0xB0] =	vst v0  }
0xf: {  	[tilespmem:s11+$0xC0] =	vst v1  }
0x10: {  	[tilespmem:s11+$0xD0] =	vst v2  }
0x11: {  	[tilespmem:s11+$0xE0] =	vst v3;
	s13 =	sshrl.u32 s10, $0x3  }
0x12: {  	[tilespmem:s11+$0xFFFFFF00] =	vst v4;
	s31 =	sand.u32 $0x7, s10;
	s30 =	sadd.s32 s6, s13  }
0x13: {  	[hbm4b:s30+s31] =	stream.linear.scatter [tilespmem:s12], [sflag:$0x2], $0x4000, $0x38;
	[tilespmem:$0x10000] =	vst v63  }
.LBB2_5:
0x14: {  	s12 =	sadd.s32 $0x40000, s8  }
0x15: {  	p3 =	sgt.s32 s12, $0x3FFFFF  }
0x16: {  	s12 =	smov.u32 @p3 s2;
	p3 =	sne.s32 s9, s7  }
.Ltmp1:
0x17: {  	p2 =	slt.u32 s9, $0x2;
	(pc) =	sbr.rel @!p3 .LBB2_6-.Ltmp1, $4  }
0x18: {  	s11 =	simm.s32 @!p2 $0x2  }
0x19: {  	s13 =	sadd.s32 $0x1, s9;
	_ =	swait.ge @!p2 [sflag:s11], $0x4000  }
0x1a: {  	s10 =	smov.u32 s8;
	p1 =	por !p1, !p1;
	[sflag:s11] =	ssyncset.done @!p2 $0x0  }
0x1b: {  	s9 =	smov.u32 s13;
	s8 =	smov.u32 s12;
	[sflag:s11] =	ssyncadd.s32 @!p2 $0xFFFFC000  }
.LBB2_1:
0x1c: {  	p2 =	sge.u32 s9, s5  }
0x1d: {  	s11 =	sxor.u32 @!p2 $0xFFFFFFFF, s9  }
0x1e: {  	s31 =	sadd.s32 $0xFFFFFFFF, s9;
	s12 =	sshrl.u32 @!p2 s8, $0x3;
	s11 =	sshll.u32 @!p2 s11, $0xE  }
0x1f: {  	s13 =	sand.u32 @!p2 $0x7, s8;
	s12 =	sadd.s32 @!p2 s3, s12;
	s11 =	sand.u32 @!p2 $0x4000, s11  }
0x20: {  	[tilespmem:s11], [sflag:$0x1] =	stream.linear.gather @!p2 [hbm4b:s12+s13], $0x4000, $0x38;
	[tilespmem:$0x10000] =	vst v63  }
0x21: {  	p2 =	sge.u32 s31, s5  }
.Ltmp2:
0x22: {  	_ = 	snop;
	(pc) =	sbr.rel @p2 .LBB2_5-.Ltmp2, $1  }
0x23: {  	_ =	sdelay $0x3  }
0x24: {  	s11 =	simm.s32 $0x1  }
0x25: {  	_ =	swait.ge [sflag:s4], $0x4000;
	s11 =	simm.s32 @!p1 $0x0  }
0x26: {  	[sflag:s4] =	ssyncset.done $0x0;
	s11 =	sshll.u32 s11, $0xE  }
0x27: {  	[sflag:s4] =	ssyncadd.s32 $0xFFFFC000;
	s14 =	sor.u32 $0x100, s11  }
0x28: {  	v0 =	vld [tilespmem:s14+$0xF0]  }
0x29: {  	v1 =	vld [tilespmem:s14+$0xFFFFFF10]  }
0x2a: {  	v2 =	vld [tilespmem:s14+$0xFFFFFF20]  }
0x2b: {  	v3 =	vld [tilespmem:s14+$0xFFFFFF30]  }
0x2c: {  	s11 =	sor.u32 $0x8100, s11;
	v4 =	vld [tilespmem:s14+$0xFFFFFF40]  }
0x2d: {  	v5 =	vld [tilespmem:s14+$0xFFFFFF50];
	[tilespmem:s11+$0xF0] =	vst v0  }
0x2e: {  	[tilespmem:s11+$0xFFFFFF10] =	vst v1;
	v0 =	vld [tilespmem:s14+$0xFFFFFF60]  }
0x2f: {  	[tilespmem:s11+$0xFFFFFF20] =	vst v2;
	v1 =	vld [tilespmem:s14+$0xFFFFFF70]  }
0x30: {  	[tilespmem:s11+$0xFFFFFF30] =	vst v3;
	v2 =	vld [tilespmem:s14+$0xFFFFFF80]  }
0x31: {  	[tilespmem:s11+$0xFFFFFF40] =	vst v4;
	v3 =	vld [tilespmem:s14+$0xFFFFFF90]  }
0x32: {  	[tilespmem:s11+$0xFFFFFF50] =	vst v5;
	v4 =	vld [tilespmem:s14+$0xFFFFFFA0]  }
0x33: {  	v5 =	vld [tilespmem:s14+$0xA0];
	[tilespmem:s11+$0xFFFFFF60] =	vst v0  }
0x34: {  	v0 =	vld [tilespmem:s14+$0xFFFFFFB0];
	[tilespmem:s11+$0xFFFFFF70] =	vst v1  }
0x35: {  	v1 =	vld [tilespmem:s14+$0xFFFFFFC0];
	[tilespmem:s11+$0xFFFFFF80] =	vst v2  }
0x36: {  	v2 =	vld [tilespmem:s14+$0xFFFFFFD0];
	[tilespmem:s11+$0xFFFFFF90] =	vst v3  }
0x37: {  	v3 =	vld [tilespmem:s14+$0xFFFFFFE0];
	[tilespmem:s11+$0xFFFFFFA0] =	vst v4  }
0x38: {  	v4 =	vld [tilespmem:s14+$0xFFFFFFF0];
	[tilespmem:s11+$0xA0] =	vst v5  }
0x39: {  	[tilespmem:s11+$0xFFFFFFB0] =	vst v0;
	v0 =	vld [tilespmem:s14+$0x0]  }
0x3a: {  	[tilespmem:s11+$0xFFFFFFC0] =	vst v1;
	v1 =	vld [tilespmem:s14+$0x10]  }
0x3b: {  	[tilespmem:s11+$0xFFFFFFD0] =	vst v2;
	v2 =	vld [tilespmem:s14+$0x20]  }
0x3c: {  	[tilespmem:s11+$0xFFFFFFE0] =	vst v3;
	v3 =	vld [tilespmem:s14+$0x30]  }
0x3d: {  	[tilespmem:s11+$0xFFFFFFF0] =	vst v4;
	v4 =	vld [tilespmem:s14+$0x40]  }
0x3e: {  	[tilespmem:s11+$0x0] =	vst v0;
	v0 =	vld [tilespmem:s14+$0x50]  }
0x3f: {  	[tilespmem:s11+$0x10] =	vst v1;
	v1 =	vld [tilespmem:s14+$0x60]  }
0x40: {  	[tilespmem:s11+$0x20] =	vst v2;
	v2 =	vld [tilespmem:s14+$0x70]  }
0x41: {  	[tilespmem:s11+$0x30] =	vst v3;
	v3 =	vld [tilespmem:s14+$0x80]  }
0x42: {  	[tilespmem:s11+$0x40] =	vst v4;
	v4 =	vld [tilespmem:s14+$0x90]  }
0x43: {  	[tilespmem:s11+$0x50] =	vst v0;
	v0 =	vld [tilespmem:s14+$0xB0]  }
0x44: {  	[tilespmem:s11+$0x60] =	vst v1;
	v1 =	vld [tilespmem:s14+$0xC0]  }
0x45: {  	s12 =	sshll.u32 s9, $0xE;
	[tilespmem:s11+$0x70] =	vst v2;
	v2 =	vld [tilespmem:s14+$0xD0]  }
0x46: {  	s12 =	sand.u32 $0x4000, s12;
	[tilespmem:s11+$0x80] =	vst v3;
	v3 =	vld [tilespmem:s14+$0xE0]  }
0x47: {  	s13 =	simm.s32 $0x0;
	s12 =	sor.u32 $0x8000, s12;
	[tilespmem:s11+$0x90] =	vst v4;
	v4 =	vld [tilespmem:s14+$0xFFFFFF00];
	s14 =	sadd.s32 $0x200, s14  }
.LBB2_3:
0x48: {  	v5 =	vld [tilespmem:s14+$0xF0];
	s13 =	sadd.s32 $0x200, s13;
	[tilespmem:s11+$0xB0] =	vst v0  }
0x49: {  	v0 =	vld [tilespmem:s14+$0xFFFFFF10];
	p2 =	slt.u32 s13, $0x3E00;
	[tilespmem:s11+$0xC0] =	vst v1  }
0x4a: {  	v1 =	vld [tilespmem:s14+$0xFFFFFF20];
	[tilespmem:s11+$0xD0] =	vst v2  }
0x4b: {  	v2 =	vld [tilespmem:s14+$0xFFFFFF30];
	[tilespmem:s11+$0xE0] =	vst v3  }
0x4c: {  	v3 =	vld [tilespmem:s14+$0xFFFFFF40];
	[tilespmem:s11+$0xFFFFFF00] =	vst v4;
	s11 =	sadd.s32 $0x200, s11  }
0x4d: {  	v4 =	vld [tilespmem:s14+$0xFFFFFF50];
	[tilespmem:s11+$0xF0] =	vst v5  }
0x4e: {  	[tilespmem:s11+$0xFFFFFF10] =	vst v0;
	v0 =	vld [tilespmem:s14+$0xFFFFFF60]  }
0x4f: {  	[tilespmem:s11+$0xFFFFFF20] =	vst v1;
	v1 =	vld [tilespmem:s14+$0xFFFFFF70]  }
0x50: {  	[tilespmem:s11+$0xFFFFFF30] =	vst v2;
	v2 =	vld [tilespmem:s14+$0xFFFFFF80]  }
0x51: {  	[tilespmem:s11+$0xFFFFFF40] =	vst v3;
	v3 =	vld [tilespmem:s14+$0xFFFFFF90]  }
0x52: {  	[tilespmem:s11+$0xFFFFFF50] =	vst v4;
	v4 =	vld [tilespmem:s14+$0xFFFFFFA0]  }
0x53: {  	[tilespmem:s11+$0xFFFFFF60] =	vst v0;
	v0 =	vld [tilespmem:s14+$0xFFFFFFB0]  }
0x54: {  	[tilespmem:s11+$0xFFFFFF70] =	vst v1;
	v1 =	vld [tilespmem:s14+$0xFFFFFFC0]  }
0x55: {  	[tilespmem:s11+$0xFFFFFF80] =	vst v2;
	v2 =	vld [tilespmem:s14+$0xFFFFFFD0]  }
0x56: {  	[tilespmem:s11+$0xFFFFFF90] =	vst v3;
	v3 =	vld [tilespmem:s14+$0xFFFFFFE0]  }
0x57: {  	[tilespmem:s11+$0xFFFFFFA0] =	vst v4;
	v4 =	vld [tilespmem:s14+$0xFFFFFFF0]  }
0x58: {  	[tilespmem:s11+$0xFFFFFFB0] =	vst v0;
	v0 =	vld [tilespmem:s14+$0x0]  }
0x59: {  	[tilespmem:s11+$0xFFFFFFC0] =	vst v1;
	v1 =	vld [tilespmem:s14+$0x10]  }
0x5a: {  	[tilespmem:s11+$0xFFFFFFD0] =	vst v2;
	v2 =	vld [tilespmem:s14+$0x20]  }
0x5b: {  	[tilespmem:s11+$0xFFFFFFE0] =	vst v3;
	v3 =	vld [tilespmem:s14+$0x30]  }
0x5c: {  	[tilespmem:s11+$0xFFFFFFF0] =	vst v4;
	v4 =	vld [tilespmem:s14+$0x40]  }
0x5d: {  	[tilespmem:s11+$0x0] =	vst v0;
	v0 =	vld [tilespmem:s14+$0x50]  }
0x5e: {  	[tilespmem:s11+$0x10] =	vst v1;
	v1 =	vld [tilespmem:s14+$0x60]  }
0x5f: {  	[tilespmem:s11+$0x20] =	vst v2;
	v2 =	vld [tilespmem:s14+$0x70]  }
0x60: {  	[tilespmem:s11+$0x30] =	vst v3;
	v3 =	vld [tilespmem:s14+$0x80]  }
0x61: {  	[tilespmem:s11+$0x40] =	vst v4;
	v4 =	vld [tilespmem:s14+$0x90]  }
0x62: {  	[tilespmem:s11+$0x50] =	vst v0;
	v5 =	vld [tilespmem:s14+$0xA0]  }
.Ltmp3:
0x63: {  	[tilespmem:s11+$0x60] =	vst v1;
	v0 =	vld [tilespmem:s14+$0xB0];
	(pc) =	sbr.rel @p2 .LBB2_3-.Ltmp3, $4  }
0x64: {  	[tilespmem:s11+$0x70] =	vst v2;
	v1 =	vld [tilespmem:s14+$0xC0]  }
0x65: {  	[tilespmem:s11+$0x80] =	vst v3;
	v2 =	vld [tilespmem:s14+$0xD0]  }
0x66: {  	[tilespmem:s11+$0x90] =	vst v4;
	v3 =	vld [tilespmem:s14+$0xE0]  }
0x67: {  	v4 =	vld [tilespmem:s14+$0xFFFFFF00];
	[tilespmem:s11+$0xA0] =	vst v5;
	s14 =	sadd.s32 $0x200, s14  }
.Ltmp4:
0x68: {  	_ = 	snop;
	(pc) =	sbr.rel .LBB2_4-.Ltmp4, $1  }
0x69: {  	_ =	sdelay $0x3  }
.LBB2_6:
0x6a: {  	_ =	sfence.sel $0x180000  }
0x6b: {  	s2 =	simm.s32 $0x1;
	[bflag:$0x0] =	sbarrier.arrive $0xFFFF  }
0x6c: {  	s31 =	simm.s32 $0x2;
	[sflag:s2] =	ssyncpa.u1 $0x1  }
0x6d: {  	[sflag:s31] =	ssyncpa.u1 $0x1  }
0x6e: {  	_ =	strace $0x90000047  }
0x6f: {  	s0 =	sadd.s32 @!p0 $0x100000, s0;
	[bflag:$0x2] =	sbarrier.arrive $0xFFFF  }
0x70: {  	[sflag:s0] =	ssyncadd.tile.s32 @!p0 $0x1;
	s0 =	simm.s32 @!p0 $0x3F  }
0x71: {  	_ =	swait.ge @!p0 [sflag:s0], s1  }
0x72: {  	s1 =	ssub.s32 @!p0 $0x0, s1;
	[sflag:s0] =	ssyncset.done @!p0 $0x0  }
0x73: {  	[sflag:s0] =	ssyncadd.s32 @!p0 s1  }
0x74: {  	[bflag:$0x3] =	sbarrier.arrive $0xFFFF  }
0x75: {  	_ =	shalt  }
.Lfunc_end2:
execute1_lowered:
.L_overlay_start_2:
0x76: {  	(tag) =	ssettag $0x2  }
0x77: {  	s0 =	rddreg [dreg:$0x0]  }
0x78: {  	s14 =	stileid.u32;
	_ =	strace $0x8000004A;
	s2 =	simm.s32 $0x1  }
0x79: {  	v1 =	vimm.s32 $0xFFFFFFFF;
	s1 =	smin.u32 s14, $0x9;
	[sflag:s2] =	ssyncpa.u1 $0x0  }
0x7a: {  	s1 =	sadd.s32 s14, s1;
	[tilespmem:$0x10] =	vst v1  }
0x7b: {  	v0 =	vimm.f32 $0.0e+00;
	p0 =	slt.u32 s14, $0x9;
	[tilespmem:$0x20] =	vst v1;
	s3 =	smul.u32 $0xFA0, s1;
	s1 =	simm.s32 $0x1F40  }
0x7c: {  	[tilespmem:$0x30] =	vst v0;
	s1 =	simm.s32 @!p0 $0xFA0  }
0x7d: {  	[tilespmem:$0x40] =	vst v0;
	s1 =	sadd.s32 s1, s3  }
0x7e: {  	[tilespmem:$0x50] =	vst v0;
	s4 =	smin.u32 s1, $0x186A0  }
0x7f: {  	[tilespmem:$0x60] =	vst v1;
	s9 =	ssub.s32 s4, s3  }
0x80: {  	s7 =	simm.s32 $0x2;
	s8 =	simm.s32 $0x8;
	[tilespmem:$0x70] =	vst v1;
	p0 =	sgt.s32 s9, $0x0  }
0x81: {  	s31 =	simm.s32 $0x9;
	s16 =	simm.s32 $0x0;
	[tilespmem:$0x80] =	vst v1;
	s9 =	simm.s32 @!p0 $0x0  }
0x82: {  	s17 =	simm.s32 $0xF0;
	s18 =	simm.s32 $0xFFFFFFFF;
	v1 =	vimm.s32 $0x0;
	[tilespmem:$0xB0] =	vst v0;
	s5 =	smulhi.u32 $0x10624DD3, s9  }
0x83: {  	s19 =	simm.s32 $0xFFFFE1C0;
	s20 =	simm.s32 $0xFFFFFFFE;
	s21 =	simm.s32 $0xF;
	[tilespmem:$0x90] =	vst v1  }
0x84: {  	[tilespmem:$0xA0] =	vst v1;
	[sflag:s7] =	ssyncpa.u1 $0x0;
	s7 =	simm.s32 $0x7;
	s10 =	sshrl.u32 s5, $0x8  }
0x85: {  	s25 =	simm.s32 $0x0;
	[sflag:s7] =	ssyncpa.u1 $0x0;
	s11 =	smul.u32 $0xFA0, s10  }
0x86: {  	s24 =	simm.s32 $0x0;
	s6 =	sadd.s32 $0x6400, s0;
	[sflag:s8] =	ssyncpa.u1 $0x0  }
.Ltmp5:
0x87: {  	s23 =	smov.u32 s3;
	p0 =	sne.s32 s9, s11;
	(pc) =	sbr.rel .LBB3_1-.Ltmp5, $4  }
0x88: {  	s1 =	sadd.s32 $0x89600, s0;
	[sflag:s31] =	ssyncpa.u1 $0x0;
	s2 =	simm.s32 @!p0 $0x0  }
0x89: {  	s5 =	sadd.s32 $0x3200, s0;
	p0 =	por $0x0, $0x0;
	s9 =	sadd.s32 s2, s10  }
0x8a: {  	vm0 =	vmmov $0xffff;
	v2 =	vlaneseq.u32;
	s10 =	sshll.u32 s14, $0x1;
	s14 =	sshllo.u32 s14, $0x1;
	s11 =	sadd.s32 $0x1, s9  }
0x8b: {  	vm1 =	vmxor vm1, vm1;
	vm2 =	vmmov $0x1;
	vm3 =	vcmask $0x3F3C;
	s12 =	sadd.s32 $0x2, s9;
	s13 =	sor.u32 $0x81, s10;
	s15 =	sor.u32 $0x80, s10  }
.LBB3_9:
0x8c: {  	p1 =	slt.u32 s24, $0x3  }
0x8d: {  	s0 =	simm.s32 @!p1 $0x2  }
0x8e: {  	_ =	swait.ge @!p1 [sflag:s0], $0xFA0  }
0x8f: {  	[sflag:s0] =	ssyncset.done @!p1 $0x0  }
0x90: {  	[sflag:s0] =	ssyncadd.s32 @!p1 $0xFFFFF060;
	s0 =	simm.s32 @!p1 $0x9  }
0x91: {  	_ =	swait.ge @!p1 [sflag:s0], $0x10  }
0x92: {  	[sflag:s0] =	ssyncset.done @!p1 $0x0  }
0x93: {  	[sflag:s0] =	ssyncadd.s32 @!p1 $0xFFFFFFF0;
	p1 =	sne.s32 s24, s12  }
.Ltmp6:
0x94: {  	s2 =	sadd.s32 $0xFA0, s23;
	(pc) =	sbr.rel @!p1 .LBB3_10-.Ltmp6, $4  }
0x95: {  	s22 =	smov.u32 s3;
	s31 =	sadd.s32 $0x1, s24;
	s17 =	sadd.s32 $0xFA0, s17  }
0x96: {  	s18 =	sadd.s32 $0x1, s18;
	s25 =	smov.u32 s23;
	p2 =	slt.s32 s2, s4  }
0x97: {  	p0 =	por !p0, !p0;
	s19 =	sadd.s32 $0xFA0, s19;
	s22 =	smov.u32 @p2 s2  }
0x98: {  	s20 =	sadd.s32 $0x1, s20;
	s23 =	smov.u32 s22;
	s24 =	smov.u32 s31  }
.LBB3_1:
0x99: {  	p1 =	sge.u32 s24, s9  }
0x9a: {  	s0 =	smulhi.u32 @!p1 $0xAAAAAAAB, s24;
	_ =	sdelay $0x1  }
0x9b: {  	s0 =	sshrl.u32 @!p1 s0, $0x1  }
0x9c: {  	s0 =	smul.u32 @!p1 $0x3, s0;
	_ =	sdelay $0x1  }
0x9d: {  	s0 =	ssub.s32 @!p1 s24, s0  }
0x9e: {  	s0 =	smul.u32 @!p1 $0x3E80, s0;
	_ =	sdelay $0x1  }
0x9f: {  	s2 =	sshrl.u32 @!p1 s23, $0x3;
	s0 =	sshrl.u32 @!p1 s0, $0x2  }
0xa0: {  	s22 =	sand.u32 @!p1 $0x7, s23;
	s2 =	sadd.s32 @!p1 s5, s2;
	s0 =	sadd.s32 @!p1 $0x100, s0  }
0xa1: {  	[tilespmem:s0], [sflag:$0x7] =	stream.linear.gather @!p1 [hbm4b:s2+s22], $0xFA0, $0x38;
	[tilespmem:$0x8DC0] =	vst v63  }
0xa2: {  	s0 =	sadd.s32 $0xFFFFFFFF, s24  }
0xa3: {  	p1 =	sge.u32 s0, s9  }
.Ltmp7:
0xa4: {  	_ = 	snop;
	(pc) =	sbr.rel @p1 .LBB3_5-.Ltmp7, $1  }
0xa5: {  	_ =	sdelay $0x3  }
0xa6: {  	s2 =	smulhi.u32 $0xAAAAAAAB, s0;
	_ =	sdelay $0x1  }
0xa7: {  	s2 =	sshrl.u32 s2, $0x1  }
0xa8: {  	s2 =	smul.u32 $0x3, s2;
	_ =	sdelay $0x1  }
0xa9: {  	s2 =	ssub.s32 s0, s2  }
0xaa: {  	s2 =	smul.u32 $0x3E80, s2  }
0xab: {  	_ =	swait.ge [sflag:s7], $0xFA0  }
0xac: {  	[sflag:s7] =	ssyncset.done $0x0;
	s2 =	sshrl.u32 s2, $0x2  }
0xad: {  	[sflag:s7] =	ssyncadd.s32 $0xFFFFF060;
	(ifvalue) =	ssetifvalue $0xFFFFFFFF;
	v3 =	vld.msk [tilespmem:s2+$0x100 ss:$0x1], $0xffff;
	_ =	sdelay $0x2  }
0xae: {  	s30 =	smulhi.u32 $0xAAAAAAAB, s18;
	p1 =	sne.s32 s24, $0x1  }
0xaf: {  	v4 =	vimm.s32 @!p1 $0x0  }
0xb0: {  	s2 =	sshrl.u32 s30, $0x1;
	v4 =	vperm.xlane @!p1 v3, v4  }
0xb1: {  	s22 =	sshll.u32 s24, $0x4;
	s2 =	smul.u32 $0xFFFF4480, s2;
	vm4 =	vlt.u32 v3, $0x400000  }
0xb2: {  	s22 =	sand.u32 $0x10, s22;
	v3 =	vnsel vm4, $0xFFFFFFFE, v3;
	vm4 =	vlt.u32 @!p1 v4, $0x400000  }
0xb3: {  	s2 =	sshra.s32 s2, $0x2;
	[tilespmem:s22+$0x60] =	vst v3;
	v3 =	vnsel @!p1 vm4, $0xFFFFFFFE, v4  }
0xb4: {  	s28 =	sadd.s32 s2, s17;
	[tilespmem:$0x80] =	vst @!p1 v3  }
0xb5: {  	v3 =	vld.msk [tilespmem:s28+$0x0 ss:$0x1], $0xffff;
	_ =	sdelay $0x4  }
0xb6: {  	(xrf1) =	vunique.msk.u32 $0xffff, v3;
	_ =	sdelay $0xd  }
0xb7: {  	v4 =	vimm.s32 $0xFFFFFFFF;
	v5, _, _ =	vpop (xrf1)  }
0xb8: {  	vm5 =	vne.s32 v3, v4;
	vm4 =	veq.s32 v5, v2  }
0xb9: {  	vm6 =	vlt.u32 v3, $0x400000;
	vm4 =	vmand vm5, vm4  }
0xba: {  	vm4 =	vmand vm6, vm4  }
0xbb: {  	v4 =	vnsel vm4, $0xFFFFFFFF, v3  }
0xbc: {  	s31 =	sand.u32 $0x1, s0  }
0xbd: {  	s0 =	simm.s32 $0xFA0;
	p1 =	seq.s32 s31, $0x1  }
0xbe: {  	s0 =	simm.s32 @!p1 $0x0  }
0xbf: {  	s26 =	sadd.s32 $0x3F70, s0;
	(ifvalue) =	ssetifvalue $0xFFFFFFFF  }
0xc0: {  	v3 =	vperm.xlane v3, v1;
	[tilespmem:s26], [sflag:$0x8] =	stream.indirect_vreg.gather [hbm4b:s1+s16], $0x1, v4, vm0, $0x4038;
	v4 =	vnsel vm6, $0xFFFFFFFE, v4;
	[tilespmem:$0x8DC0] =	vst v63  }
0xc1: {  	s2 =	simm.s32 $0x0;
	s22 =	sadd.s32 $0xFFFFFFF0, s28;
	[tilespmem:s28+$0x0] =	vst v4  }
.LBB3_3:
0xc2: {  	v4 =	vld.msk [tilespmem:s22+$0x0 ss:$0x1], $0xffff;
	s2 =	sadd.s32 $0x10, s2;
	v5 =	vmov v3;
	s28 =	smov.u32 s22  }
0xc3: {  	p1 =	slt.u32 s2, $0xF90;
	_ =	sdelay $0x4  }
0xc4: {  	v3 =	vperm.xlane v4, v1;
	(xrf1) =	vunique.msk.u32 $0xffff, v4;
	_ =	sdelay $0xd  }
0xc5: {  	v6, _, _ =	vpop (xrf1)  }
0xc6: {  	vm5 =	vne.s32 v4, v5;
	vm4 =	veq.s32 v6, v2  }
0xc7: {  	vm6 =	vlt.u32 v4, $0x400000;
	vm4 =	vmand vm5, vm4  }
0xc8: {  	vm4 =	vmand vm6, vm4  }
0xc9: {  	v4 =	vnsel vm4, $0xFFFFFFFF, v4  }
.Ltmp8:
0xca: {  	v5 =	vnsel vm6, $0xFFFFFFFE, v4;
	(pc) =	sbr.rel @p1 .LBB3_3-.Ltmp8, $3  }
0xcb: {  	_ =	sdelay $0x1  }
0xcc: {  	s22 =	sadd.s32 $0xFFFFFFF0, s22;
	s26 =	sadd.s32 $0xFFFFFFF0, s26;
	(ifvalue) =	ssetifvalue $0xFFFFFFFF  }
0xcd: {  	[tilespmem:s26], [sflag:$0x8] =	stream.indirect_vreg.gather [hbm4b:s1+s16], $0x1, v4, vm0, $0x4038;
	[tilespmem:s28+$0x0] =	vst v5  }
0xce: {  	s2 =	sshrl.u32 s25, $0x3  }
0xcf: {  	s0 =	sadd.s32 $0x4F20, s0;
	s2 =	sadd.s32 s6, s2  }
0xd0: {  	[tilespmem:s0], [sflag:$0x8] =	stream.linear.gather [hbm:s2], $0xFA0, $0x38;
	[tilespmem:$0x8DC0] =	vst v63  }
.LBB3_5:
0xd1: {  	p1 =	slt.u32 s24, $0x2  }
0xd2: {  	p2 =	sge.u32 @!p1 s24, s12  }
0xd3: {  	p1 =	por p1, p2  }
.Ltmp9:
0xd4: {  	_ = 	snop;
	(pc) =	sbr.rel @p1 .LBB3_9-.Ltmp9, $1  }
0xd5: {  	_ =	sdelay $0x3  }
0xd6: {  	s0 =	sadd.s32 $0xFFFFFFFE, s24  }
0xd7: {  	s2 =	smulhi.u32 $0xAAAAAAAB, s0;
	_ =	sdelay $0x1  }
0xd8: {  	s2 =	sshrl.u32 s2, $0x1  }
0xd9: {  	s2 =	smul.u32 $0x3, s2;
	_ =	sdelay $0x1  }
0xda: {  	s0 =	ssub.s32 s0, s2  }
0xdb: {  	_ =	swait.ge [sflag:s8], $0x1F40;
	s0 =	smul.u32 $0xFA0, s0  }
0xdc: {  	p1 =	sne.s32 s24, s11;
	[sflag:s8] =	ssyncset.done $0x0  }
0xdd: {  	[sflag:s8] =	ssyncadd.s32 $0xFFFFE0C0;
	s2 =	sadd.s32 @!p1 $0x109F, s0  }
0xde: {  	[spmem:s13] =	stream.linear.scatter @!p1 [tilespmem:s2], [sflag:$0x1], $0x1, $0x38;
	[tilespmem:$0x8DC0] =	vst v63  }
0xdf: {  	s2 =	simm.s32 @!p1 $0x1  }
0xe0: {  	_ =	swait.ge @!p1 [sflag:s2], $0x1  }
0xe1: {  	s22 =	sshll.u32 s24, $0x4;
	[sflag:s2] =	ssyncset.done @!p1 $0x0  }
0xe2: {  	s25 =	sand.u32 $0x10, s22;
	[sflag:s2] =	ssyncadd.s32 @!p1 $0xFFFFFFFF  }
0xe3: {  	s2 =	sxor.u32 $0x10, s25;
	v4 =	vld [tilespmem:s25+$0x10]  }
0xe4: {  	v5 =	vld [tilespmem:s2+$0x60]  }
0xe5: {  	v3 =	vld [tilespmem:$0x80];
	_ =	sdelay $0x2  }
0xe6: {  	(v2sf) =	vpush v4, $0x0  }
0xe7: {  	(v2sf) =	vpush v5, $0x0  }
0xe8: {  	(v2sf) =	vpush v3, $0x0;
	_ =	sdelay $0xc  }
0xe9: {  	s22 =	spop (v2sf)  }
0xea: {  	s26 =	spop (v2sf)  }
0xeb: {  	s28 =	spop (v2sf)  }
0xec: {  	p2 =	seq.s32 s22, s26;
	p3 =	seq.s32 s28, s22  }
0xed: {  	p3 =	por p2, p3  }
0xee: {  	s26 =	sand.u32 $0x1, s24;
	v4 =	vpsel p3, $0xFFFFFFFF, v4  }
0xef: {  	s29 =	smul.u32 $0xFA0, s26;
	[tilespmem:s25+$0x10] =	vst.msk $0x1, v4  }
0xf0: {  	v4 =	vld [tilespmem:$0x30]  }
0xf1: {  	v5 =	vld [tilespmem:s29+$0x4F20]  }
0xf2: {  	v6 =	vld [tilespmem:s25+$0x40];
	_ =	sdelay $0x3  }
0xf3: {  	vm4 =	vmmov vm1;
	v5 =	vadd.f32 v5, v4  }
0xf4: {  	vm5 =	vmmov vm2;
	vm4 =	vmmov @p2 vm2;
	s22 =	sshll.u32 s26, $0x4;
	v4 =	vadd.f32 v6, v4  }
0xf5: {  	s26 =	sor.u32 $0x8DA0, s22;
	vm5 =	vmmov @p3 vm1;
	[tilespmem:s29+$0x4F20] =	vst.msk vm4, v5  }
0xf6: {  	[tilespmem:s26+$0x0] =	vst.msk vm5, v4  }
0xf7: {  	v4 =	vld [tilespmem:s29+$0x3F70];
	_ =	sdelay $0x3  }
0xf8: {  	v5 =	vimm.f32 $0.0e+00  }
0xf9: {  	v4 =	vshift.insert v4, v5, s21  }
0xfa: {  	s22 =	sor.u32 $0x40, s2  }
0xfb: {  	[tilespmem:s22+$0x0] =	vst.msk $0x1, v4  }
0xfc: {  	[tilespmem:s29+$0x3F7F] =	vst.msk $0x1, v5  }
0xfd: {  	v4 =	vld [tilespmem:s0+$0x1090];
	_ =	sdelay $0x1  }
0xfe: {  	s22 =	smulhi.u32 $0xAAAAAAAB, s20;
	s0 =	simm.s32 $0x1  }
0xff: {  	s0 =	simm.s32 @!p0 $0x0  }
0x100: {  	s22 =	sshrl.u32 s22, $0x1;
	s0 =	smul.u32 $0x3E80, s0  }
0x101: {  	s22 =	smul.u32 $0xFFFF4480, s22;
	v4 =	vshift.insert v4, v1, s21  }
0x102: {  	s0 =	sshrl.u32 s0, $0x2  }
0x103: {  	s22 =	sshra.s32 s22, $0x2;
	s30 =	sadd.s32 $0x4F20, s0;
	[tilespmem:s2+$0x10] =	vst.msk $0x1, v4  }
0x104: {  	s22 =	sadd.s32 s22, s19;
	v6 =	vld [tilespmem:s30+$0x0]  }
0x105: {  	v7 =	vld [tilespmem:s22+$0x0];
	_ =	sdelay $0x3  }
0x106: {  	v5 =	vadd.f32 v6, v5  }
0x107: {  	vm4 =	vne.s32 v7, $0xFFFFFFFF  }
0x108: {  	(xrf2) =	vadd.seg.scan.f32 vm4, v5;
	_ =	sdelay $0x3  }
0x109: {  	s31 =	sadd.s32 $0x2FE0, s0;
	v5 =	vperm.xlane v4, v1  }
0x10a: {  	v6 =	vld [tilespmem:s31+$0x0]  }
0x10b: {  	vm5 =	veq.s32 v7, v3;
	vm6 =	veq.s32 v7, v5  }
0x10c: {  	vm7 =	vgt.u32 v7, $0xFFFFFFFD;
	vm6 =	vmor vm6, vm5  }
0x10d: {  	vm6 =	vmor vm6, vm7  }
0x10e: {  	v9 =	vld [tilespmem:$0xA0];
	v7 =	vsel vm6, $0xFFFFFFFF, v7  }
0x10f: {  	v10 =	vld [tilespmem:$0x90];
	v6 =	vsel vm5, $0x0, v6;
	v8, _, _ =	vpop (xrf2)  }
0x110: {  	v6 =	vadd.f32 v8, v6  }
0x111: {  	s0 =	sadd.s32 $0x6E60, s0  }
0x112: {  	vm4 =	vmand vm4, vm3;
	[tilespmem:s0+$0x0] =	vst v6;
	(ifvalue) =	ssetifvalue $0xFFFFFFFF  }
0x113: {  	vm6 =	veq.s32 v9, $0x1;
	[hbm4b:s1+s16] =	stream.indirect_vreg.scatter [tilespmem:s0], [sflag:$0x2], $0x1, v7, vm0, $0x4038;
	v7 =	vsel vm4, $0x0, v8;
	[tilespmem:$0x8DC0] =	vst v63  }
0x114: {  	s2 =	simm.s32 $0x0;
	s22 =	sadd.s32 $0x10, s22;
	vm4 =	vmor vm6, vm5;
	v6 =	vsel vm5, v8, v10;
	v7 =	vshift.insert v7, v0, s21  }
.LBB3_7:
0x115: {  	v8 =	vld [tilespmem:s22+$0x0];
	s30 =	sadd.s32 $0x10, s30  }
0x116: {  	s31 =	sadd.s32 $0x10, s31;
	v9 =	vld [tilespmem:s30+$0x0]  }
0x117: {  	s2 =	sadd.s32 $0x10, s2;
	v10 =	vld [tilespmem:s31+$0x0]  }
0x118: {  	p2 =	slt.u32 s2, $0xF90;
	_ =	sdelay $0x2  }
0x119: {  	v7 =	vadd.f32 v9, v7  }
0x11a: {  	vm5 =	vne.s32 v8, $0xFFFFFFFF  }
0x11b: {  	vm6 =	vmand vm5, vm3;
	(xrf2) =	vadd.seg.scan.f32 vm5, v7;
	_ =	sdelay $0x5  }
0x11c: {  	vm7 =	veq.s32 v8, v5;
	vm5 =	veq.s32 v8, v3  }
0x11d: {  	vm8 =	vgt.u32 v8, $0xFFFFFFFD;
	vm4 =	vmor vm4, vm5;
	vm7 =	vmor vm7, vm5  }
0x11e: {  	vm7 =	vmor vm7, vm8  }
0x11f: {  	v8 =	vsel vm7, $0xFFFFFFFF, v8  }
.Ltmp10:
0x120: {  	v7 =	vsel vm5, $0x0, v10;
	v9, _, _ =	vpop (xrf2);
	(pc) =	sbr.rel @p2 .LBB3_7-.Ltmp10, $4  }
0x121: {  	v6 =	vsel vm5, v9, v6;
	v10 =	vadd.f32 v9, v7;
	v7 =	vsel vm6, $0x0, v9  }
0x122: {  	s0 =	sadd.s32 $0x10, s0;
	v7 =	vshift.insert v7, v0, s21  }
0x123: {  	s22 =	sadd.s32 $0x10, s22;
	[tilespmem:s0+$0x0] =	vst v10;
	(ifvalue) =	ssetifvalue $0xFFFFFFFF  }
0x124: {  	[hbm4b:s1+s16] =	stream.indirect_vreg.scatter [tilespmem:s0], [sflag:$0x2], $0x1, v8, vm0, $0x4038;
	[tilespmem:$0x8DC0] =	vst v63  }
0x125: {  	v3 =	vld [tilespmem:s29+$0x7DF0];
	_ =	sdelay $0x4  }
0x126: {  	v3 =	vshift.insert v3, v0, s21  }
0x127: {  	s0 =	simm.s32 $0x30  }
0x128: {  	[tilespmem:s0+$0x0] =	vst.msk $0x1, v3  }
0x129: {  	v3 =	vsel vm4, $0x1, v1;
	[tilespmem:$0x90] =	vst v6  }
0x12a: {  	s0 =	sadd.s32 @!p1 $0x7DFF, s29;
	[tilespmem:$0xA0] =	vst v3  }
0x12b: {  	[spmem:s14] =	stream.linear.scatter @!p1 [tilespmem:s0], [sflag:$0x1], $0x1, $0x38;
	[tilespmem:$0x8DC0] =	vst v63  }
0x12c: {  	s0 =	simm.s32 @!p1 $0x1  }
0x12d: {  	v3 =	vmctz.xlane @!p1 vm4;
	_ =	swait.ge @!p1 [sflag:s0], $0x1  }
0x12e: {  	(v2sf) =	vpush @!p1 v4, $0x0  }
0x12f: {  	(v2sf) =	vpush @!p1 v3, $0x0;
	_ =	sdelay $0xd  }
0x130: {  	s2 =	spop @!p1 (v2sf)  }
0x131: {  	s22 =	spop @!p1 (v2sf)  }
0x132: {  	p2 =	sne.s32 @!p1 s28, s2;
	p3 =	slt.s32 @!p1 s22, $0xF  }
0x133: {  	[sflag:s0] =	ssyncset.done @!p1 $0x0;
	p2 =	por p2, p1;
	p3 =	por !p3, p1  }
0x134: {  	[sflag:s0] =	ssyncadd.s32 @!p1 $0xFFFFFFFF;
	v3 =	vimm.s32 @!p2 $0xFFFFFFFF;
	s22 =	simm.s32 @p3 $0xF  }
0x135: {  	[tilespmem:$0x80] =	vst @!p2 v3;
	s2 =	sadd.s32 @!p1 $0x90, s22  }
0x136: {  	[spmem:s10] =	stream.linear.scatter @!p1 [tilespmem:s2], [sflag:$0x1], $0x1, $0x38;
	[tilespmem:$0x8DC0] =	vst v63  }
0x137: {  	_ =	swait.ge @!p1 [sflag:s0], $0x1  }
0x138: {  	[sflag:s0] =	ssyncset.done @!p1 $0x0  }
0x139: {  	s2 =	simm.s32 @!p1 $0x80;
	[sflag:s0] =	ssyncadd.s32 @!p1 $0xFFFFFFFF  }
0x13a: {  	[spmem:s15] =	stream.linear.scatter @!p1 [tilespmem:s2], [sflag:$0x1], $0x1, $0x38;
	[tilespmem:$0x8DC0] =	vst v63  }
0x13b: {  	_ =	swait.ge @!p1 [sflag:s0], $0x1  }
0x13c: {  	[sflag:s0] =	ssyncset.done @!p1 $0x0  }
0x13d: {  	[sflag:s0] =	ssyncadd.s32 @!p1 $0xFFFFFFFF;
	(ifvalue) =	ssetifvalue $0xFFFFFFFF;
	v3 =	vld [tilespmem:s25+$0x10];
	_ =	sdelay $0x3  }
.Ltmp11:
0x13e: {  	_ = 	snop;
	(pc) =	sbr.rel .LBB3_9-.Ltmp11, $3  }
0x13f: {  	_ =	sdelay $0x1  }
0x140: {  	(ifvalue) =	ssetifvalue $0xFFFFFFFF  }
0x141: {  	[hbm4b:s1+s16] =	stream.indirect_vreg.scatter [tilespmem:s26], [sflag:$0x9], $0x1, v3, vm0, $0x4038;
	[tilespmem:$0x8DC0] =	vst v63  }
.LBB3_10:
0x142: {  	_ =	sfence.sel $0x180000  }
0x143: {  	s0 =	simm.s32 $0x7;
	[bflag:$0x0] =	sbarrier.arrive $0xFFFF  }
0x144: {  	s26 =	simm.s32 $0x8;
	[sflag:s0] =	ssyncpa.u1 $0x1  }
0x145: {  	s28 =	simm.s32 $0x9;
	[sflag:s26] =	ssyncpa.u1 $0x1  }
0x146: {  	[sflag:s28] =	ssyncpa.u1 $0x1  }
0x147: {  	_ =	sfence.stream.spmem  }
0x148: {  	s29 =	simm.s32 $0x3;
	[bflag:$0x0] =	sbarrier.arrive $0xFFFF  }
0x149: {  	s30 =	simm.s32 $0x4;
	[sflag:s29] =	ssyncpa.u1 $0x1  }
0x14a: {  	s31 =	simm.s32 $0x3C;
	s2 =	stileid.u32;
	[sflag:s30] =	ssyncpa.u1 $0x1  }
0x14b: {  	p0 =	sne.s32 s2, $0x0;
	[sflag:s31] =	ssyncpa.u1 $0x1  }
0x14c: {  	s0 =	simm.s32 @p0 $0x1;
	_ =	sfence @p0  }
0x14d: {  	[sflag:s0] =	ssyncpa.u1 @p0 $0x1;
	s0 =	simm.s32 @p0 $0x2  }
0x14e: {  	[sflag:s0] =	ssyncpa.u1 @p0 $0x1  }
0x14f: {  	_ =	strace @p0 $0x9000004A  }
0x150: {  	[bflag:$0x2] =	sbarrier.arrive @p0 $0xFFFF  }
0x151: {  	_ =	shalt @p0  }
.LBB3_11:
0x152: {  	_ =	sfence.stream.spmem;
	s0 =	simm.s32 $0x5  }
0x153: {  	s2 =	simm.s32 $0x80;
	s3 =	simm.s32 $0xC0;
	[sflag:s0] =	ssyncpa.u1 $0x0  }
0x154: {  	[tilespmem:s3], [sflag:$0x5] =	stream.linear.gather [spmem:s2], $0x20, $0x38;
	[tilespmem:$0x8DC0] =	vst v63  }
0x155: {  	s2 =	simm.s32 $0x0;
	s3 =	simm.s32 $0xE0  }
0x156: {  	[tilespmem:s3], [sflag:$0x5] =	stream.linear.gather [spmem:s2], $0x20, $0x38;
	[tilespmem:$0x8DC0] =	vst v63  }
.Ltmp12:
0x157: {  	_ = 	snop;
	(pc) =	sbr.rel .LBB3_12-.Ltmp12, $4  }
0x158: {  	_ =	swait.ge [sflag:s0], $0x40  }
0x159: {  	[sflag:s0] =	ssyncset.done $0x0  }
0x15a: {  	s31 =	simm.s32 $0x6;
	[sflag:s0] =	ssyncadd.s32 $0xFFFFFFC0  }
0x15b: {  	s4 =	simm.s32 $0x0;
	[sflag:s31] =	ssyncpa.u1 $0x0  }
.LBB3_17:
0x15c: {  	p0 =	sgt.u32 s5, $0x3FFFFF  }
0x15d: {  	s0 =	sshrl.u32 @!p0 s5, $0x3  }
0x15e: {  	s5 =	sand.u32 @!p0 $0x7, s5;
	s6 =	simm.s32 @!p0 $0xB0;
	s0 =	sadd.s32 @!p0 s1, s0  }
0x15f: {  	[tilespmem:s6], [sflag:$0x6] =	stream.linear.gather @!p0 [hbm4b:s0+s5], $0x1, $0x38;
	[tilespmem:$0x8DC0] =	vst v63  }
0x160: {  	s0 =	simm.s32 @!p0 $0x6  }
0x161: {  	_ =	swait.ge @!p0 [sflag:s0], $0x1  }
0x162: {  	[sflag:s0] =	ssyncset.done @!p0 $0x0  }
0x163: {  	[sflag:s0] =	ssyncadd.s32 @!p0 $0xFFFFFFFF  }
0x164: {  	v2 =	vmov @!p0 s4;
	v1 =	vld.msk @!p0 [tilespmem:$0xB0], $0x1;
	_ =	sdelay $0x3  }
0x165: {  	s0 =	simm.s32 @!p0 $0xE0  }
0x166: {  	[tilespmem:v2+s0+$0x0], v1 =	vst.idx.ret.add.f32.msk @!p0 $0x1, v1  }
0x167: {  	[tilespmem:s2+$0xC0] =	vst.msk $0x1, v0  }
0x168: {  	v0 =	vld.msk [tilespmem:s4+$0xE0], $0x1;
	_ =	sdelay $0x4  }
0x169: {  	[tilespmem:s2+$0xE0] =	vst.msk $0x1, v0;
	s2 =	sadd.s32 $0x1, s2  }
.LBB3_19:
0x16a: {  	s4 =	sadd.s32 $0x1, s4  }
0x16b: {  	p0 =	sne.s32 s4, $0x20  }
.Ltmp13:
0x16c: {  	_ = 	snop;
	(pc) =	sbr.rel @!p0 .LBB3_20-.Ltmp13, $1  }
0x16d: {  	_ =	sdelay $0x3  }
.LBB3_12:
0x16e: {  	v0 =	vld.msk [tilespmem:s4+$0xC0], $0x1;
	_ =	sdelay $0x4  }
0x16f: {  	(v2sf) =	vpush v0, $0x0;
	_ =	sdelay $0xe  }
0x170: {  	s5 =	spop (v2sf)  }
0x171: {  	p0 =	seq.s32 s5, $0xFFFFFFFF  }
.Ltmp14:
0x172: {  	_ = 	snop;
	(pc) =	sbr.rel @p0 .LBB3_19-.Ltmp14, $1  }
0x173: {  	_ =	sdelay $0x3  }
0x174: {  	p0 =	slt.s32 s2, $0x1  }
.Ltmp15:
0x175: {  	_ = 	snop;
	(pc) =	sbr.rel @p0 .LBB3_17-.Ltmp15, $1  }
0x176: {  	_ =	sdelay $0x3  }
0x177: {  	s0 =	simm.s32 $0xC0;
	p0 =	por $0x0, $0x0  }
0x178: {  	v1 =	vld.msk @!p0 [tilespmem:s0+$0x0], $0x1;
	_ =	sdelay $0x4  }
0x179: {  	(v2sf) =	vpush @!p0 v1, $0x0;
	_ =	sdelay $0xd  }
0x17a: {  	p2 =	sne.s32 s2, $0x1  }
.Ltmp16:
0x17b: {  	s6 =	spop @!p0 (v2sf);
	(pc) =	sbr.rel @!p2 .LBB3_16-.Ltmp16, $4  }
0x17c: {  	p1 =	seq.s32 @!p0 s5, s6  }
0x17d: {  	s6 =	simm.s32 $0x0;
	p1 =	por !p1, p0  }
0x17e: {  	s8 =	simm.s32 $0xFFFFFFFF;
	s6 =	simm.s32 @p1 $0xFFFFFFFF  }
0x17f: {  	s7 =	simm.s32 $0x1;
	s6 =	smov.u32 @p0 s8  }
.LBB3_15:
0x180: {  	s8 =	smov.u32 s6;
	p0 =	sne.s32 s6, $0xFFFFFFFF  }
0x181: {  	s0 =	sadd.s32 $0x1, s0;
	s6 =	smov.u32 s7;
	s7 =	sadd.s32 $0x1, s7  }
0x182: {  	p1 =	sne.s32 s2, s7;
	v1 =	vld.msk @!p0 [tilespmem:s0+$0x0], $0x1;
	_ =	sdelay $0x4  }
0x183: {  	(v2sf) =	vpush @!p0 v1, $0x0;
	_ =	sdelay $0xe  }
.Ltmp17:
0x184: {  	s9 =	spop @!p0 (v2sf);
	(pc) =	sbr.rel @p1 .LBB3_15-.Ltmp17, $4  }
0x185: {  	p2 =	seq.s32 @!p0 s5, s9  }
0x186: {  	p2 =	por !p2, p0  }
0x187: {  	s6 =	simm.s32 @p2 $0xFFFFFFFF  }
0x188: {  	s6 =	smov.u32 @p0 s8  }
.LBB3_16:
0x189: {  	p0 =	sne.s32 s6, $0xFFFFFFFF  }
.Ltmp18:
0x18a: {  	_ = 	snop;
	(pc) =	sbr.rel @!p0 .LBB3_17-.Ltmp18, $1  }
0x18b: {  	_ =	sdelay $0x3  }
0x18c: {  	v0 =	vld.msk [tilespmem:s4+$0xE0], $0x1;
	v1 =	vmov s6  }
.Ltmp19:
0x18d: {  	_ = 	snop;
	(pc) =	sbr.rel .LBB3_19-.Ltmp19, $2  }
0x18e: {  	_ =	sdelay $0x2  }
0x18f: {  	[tilespmem:v1+s3+$0x0], v0 =	vst.idx.ret.add.f32.msk $0x1, v0  }
.LBB3_20:
0x190: {  	p0 =	slt.s32 s2, $0x1  }
.Ltmp20:
0x191: {  	_ = 	snop;
	(pc) =	sbr.rel @p0 .LBB3_24-.Ltmp20, $3  }
0x192: {  	_ =	sdelay $0x1  }
0x193: {  	s0 =	simm.s32 $0x6  }
0x194: {  	s3 =	simm.s32 $0x0;
	[sflag:s0] =	ssyncpa.u1 $0x1  }
0x195: {  	s0 =	simm.s32 $0xC0  }
0x196: {  	v0 =	vld.msk [tilespmem:s0+$0x0], $0x1;
	_ =	sdelay $0x4  }
0x197: {  	(v2sf) =	vpush v0, $0x0;
	_ =	sdelay $0xe  }
0x198: {  	s2 =	sadd.s32 $0xFFFFFFFF, s2;
	s4 =	spop (v2sf)  }
0x199: {  	p1 =	sne.s32 s2, $0x0;
	p0 =	sgt.u32 s4, $0x3FFFFF  }
.Ltmp21:
0x19a: {  	s5 =	sshrl.u32 @!p0 s4, $0x3;
	(pc) =	sbr.rel @!p1 .LBB3_23-.Ltmp21, $4  }
0x19b: {  	s0 =	simm.s32 $0xE0;
	s4 =	sand.u32 @!p0 $0x7, s4;
	s5 =	sadd.s32 @!p0 s1, s5  }
0x19c: {  	[hbm4b:s5+s4] =	stream.linear.scatter @!p0 [tilespmem:s0], [sflag:$0x5], $0x1, $0x38;
	[tilespmem:$0x8DC0] =	vst v63  }
0x19d: {  	s5 =	simm.s32 $0x0  }
0x19e: {  	s4 =	simm.s32 $0xC1;
	s5 =	simm.s32 @!p0 $0x4  }
.LBB3_22:
0x19f: {  	v0 =	vld.msk [tilespmem:s4+$0x0], $0x1;
	s2 =	sadd.s32 $0xFFFFFFFF, s2;
	s3 =	sadd.s32 s3, s5  }
0x1a0: {  	p0 =	sne.s32 s2, $0x0;
	_ =	sdelay $0x3  }
0x1a1: {  	(v2sf) =	vpush v0, $0x0;
	_ =	sdelay $0xe  }
.Ltmp22:
0x1a2: {  	s6 =	spop (v2sf);
	(pc) =	sbr.rel @p0 .LBB3_22-.Ltmp22, $4  }
0x1a3: {  	s5 =	simm.s32 $0x0;
	p1 =	sgt.u32 s6, $0x3FFFFF  }
0x1a4: {  	s0 =	sadd.s32 $0x1, s0;
	s5 =	simm.s32 @!p1 $0x4;
	s7 =	sshrl.u32 @!p1 s6, $0x3  }
0x1a5: {  	s4 =	sadd.s32 $0x1, s4;
	s6 =	sand.u32 @!p1 $0x7, s6;
	s7 =	sadd.s32 @!p1 s1, s7  }
0x1a6: {  	[hbm4b:s7+s6] =	stream.linear.scatter @!p1 [tilespmem:s0], [sflag:$0x5], $0x1, $0x38;
	[tilespmem:$0x8DC0] =	vst v63  }
.LBB3_23:
0x1a7: {  	s0 =	sadd.s32 s3, s5  }
0x1a8: {  	s3 =	sshrl.u32 s0, $0x2  }
.LBB3_24:
0x1a9: {  	s0 =	simm.s32 $0x5  }
0x1aa: {  	_ =	swait.ge [sflag:s0], s3  }
0x1ab: {  	s1 =	ssub.s32 $0x0, s3;
	[sflag:s0] =	ssyncset.done $0x0  }
0x1ac: {  	[sflag:s0] =	ssyncadd.s32 s1  }
0x1ad: {  	[sflag:s0] =	ssyncpa.u1 $0x1  }
0x1ae: {  	s29 =	simm.s32 $0x1;
	_ =	sfence  }
0x1af: {  	s30 =	simm.s32 $0x2;
	[sflag:s29] =	ssyncpa.u1 $0x1  }
0x1b0: {  	[sflag:s30] =	ssyncpa.u1 $0x1  }
0x1b1: {  	_ =	strace $0x9000004A  }
0x1b2: {  	[bflag:$0x2] =	sbarrier.arrive $0xFFFF  }
0x1b3: {  	s31 =	rddreg [dreg:$0x1]  }
0x1b4: {  	s0 =	sadd.s32 $0x100000, s31  }
0x1b5: {  	[sflag:s0] =	ssyncadd.tile.s32 $0x1;
	_ =	shalt  }
.Lfunc_end3:
_tile_overlayer_lowered:
.L_overlay_start_3:
0x1b6: {  	(tag) =	ssettag $0x3  }
0x1b7: {  	s0 =	rddreg [dreg:$0x0];
	s2 =	stileid.u32  }
0x1b8: {  	s1 =	rddreg [dreg:$0x1];
	p0 =	sne.s32 s2, $0x0  }
0x1b9: {  	s3 =	rddreg [dreg:$0x2];
	[bflag:$0x3] =	sbarrier.arrive $0xFFFF;
	s2 =	simm.s32 @!p0 $0x1C01  }
0x1ba: {  	[timem:s3], [sflag:s2] =	dma.local @!p0 [hbm:s0], s1  }
0x1bb: {  	s0 =	simm.s32 @!p0 $0x1  }
0x1bc: {  	_ =	swait.ge @!p0 [sflag:s0], s1  }
0x1bd: {  	s1 =	ssub.s32 @!p0 $0x0, s1;
	[sflag:s0] =	ssyncset.done @!p0 $0x0  }
0x1be: {  	[sflag:s0] =	ssyncadd.s32 @!p0 s1  }
0x1bf: {  	[bflag:$0x3] =	sbarrier.arrive $0xFFFF  }
0x1c0: {  	_ =	shalt  }

// kernel: sparse-core-data-format-call.1.cloned.1.call-start
scs
called_computation.3_lowered:
.L_overlay_start_0:
0x0: {  	s2 =	sld [smem:$0x3FD9]  }
0x1: {  	s3 =	sld [smem:$0x3FFE];
	_ =	sdelay $0x1  }
0x2: {  	s1 =	srdreg.scid  }
0x3: {  	s0 =	sand.u32 $0x1, s1  }
0x4: {  	s18 =	sshll.u32 s0, $0xA;
	s2 =	sadd.s32 s3, s2  }
0x5: {  	s2 =	sadd.s32 s2, s18  }
0x6: {  	[smem:$0x3FBD] =	sst s2  }
0x7: {  	_ = 	snop  }
0x8: {  	(tm) =	ssettm $0x1  }
0x9: {  	s19 =	sld [smem:$0x3FFB];
	_ =	sdelay $0x3  }
0xa: {  	_ =	strace s19  }
0xb: {  	s2 =	sld [smem:$0x3FFC];
	_ =	sdelay $0x3  }
0xc: {  	_ =	strace s2  }
0xd: {  	s2 =	sld [smem:$0x3FFD];
	_ =	sdelay $0x3  }
0xe: {  	_ =	strace s2  }
0xf: {  	_ =	strace $0x8FFFFFFF  }
0x10: {  	s20 =	sld [smem:$0x3FDB];
	_ =	sdelay $0x1  }
0x11: {  	s21 =	simm.s32 $_scs_section_size  }
0x12: {  	s4 =	simm.s32 $_size__tile_overlayer_lowered;
	s5 =	simm.s32 $_tile_overlayer_lowered  }
0x13: {  	s6 =	simm.s32 $0x1BFF;
	s22 =	sshll.u32 s5, $0x1;
	s3 =	sadd.s32 s21, s20  }
0x14: {  	s23 =	simm.s32 $0x0;
	s4 =	sshll.u32 s4, $0x1;
	s5 =	sadd.s32 s22, s3  }
0x15: {  	[timem:s23], [sflag:s6] =	dma.local [hbm:s5], s4  }
0x16: {  	_ =	swait.ge [sflag:s6], s4  }
0x17: {  	s4 =	ssub.s32 $0x0, s4;
	[sflag:s6] =	ssyncset.done $0x0  }
0x18: {  	[sflag:s6] =	ssyncadd.s32 s4;
	_ =	sdelay $0x1  }
0x19: {  	s24 =	simm.s32 $0x1B8B  }
0x1a: {  	_ =	swait.ge [sflag:s24], $0x1  }
0x1b: {  	[sflag:s24] =	ssyncset.done $0x0  }
0x1c: {  	[sflag:s24] =	ssyncadd.s32 $0xFFFFFFFF  }
0x1d: {  	s4 =	sld [smem:$0x0]  }
0x1e: {  	s5 =	sand.u32 $0xFFFFFFFE, s1  }
0x1f: {  	p0 =	sne.s32 s1, s5  }
0x20: {  	s5 =	sshll.u32 @p0 s5, $0xE  }
0x21: {  	s5 =	sadd.s32 @p0 $0x11B8D, s5;
	s6 =	sshll.u32 @p0 s4, $0x11  }
0x22: {  	s5 =	sor.u32 @p0 s6, s5  }
0x23: {  	[sflag:s5] =	ssyncadd.remote.s32 @p0 $0x1;
	_ =	sdelay $0x1  }
0x24: {  	s5 =	simm.s32 @p0 $0x1B8D  }
0x25: {  	_ =	swait.eq @p0 [sflag:s5], $0x1  }
0x26: {  	[sflag:s5] =	ssyncadd.s32 @p0 $0xFFFFFFFF  }
0x27: {  	s6 =	sshll.u32 @!p0 s1, $0xE  }
0x28: {  	s6 =	sor.u32 @!p0 $0x4000, s6;
	s5 =	simm.s32 @!p0 $0x1B8D  }
0x29: {  	s4 =	sshll.u32 @!p0 s4, $0x11;
	s6 =	sadd.s32 @!p0 $0x11B8D, s6;
	_ =	swait.eq @!p0 [sflag:s5], $0x1  }
0x2a: {  	s4 =	sor.u32 @!p0 s4, s6;
	[sflag:s5] =	ssyncadd.s32 @!p0 $0xFFFFFFFF  }
0x2b: {  	s26 =	simm.s32 $0x1B8E;
	s25 =	sld [smem:$0x3FFE];
	[sflag:s4] =	ssyncadd.remote.s32 @!p0 $0x1  }
0x2c: {  	s27 =	simm.s32 $execute0_lowered;
	[smem:$0x3FD2] =	sst s26  }
0x2d: {  	s5 =	sshll.u32 s27, $0x1;
	_ =	strace $0x8000004F;
	[dreg:$0x1] =	wrdreg $0xFFFFFFFF  }
0x2e: {  	s28 =	simm.s32 $_size_execute0_lowered;
	s3 =	sadd.s32 s3, s5;
	[dreg:$0x0] =	wrdreg $0x0  }
0x2f: {  	s5 =	sshll.u32 s28, $0x1;
	[dreg:$0x2] =	wrdreg s3  }
0x30: {  	[dreg:$0x3] =	wrdreg s5  }
0x31: {  	[dreg:$0x4] =	wrdreg $0xC0  }
0x32: {  	_ =	task [dreg:s23], $0x5FFFF  }
0x33: {  	[dreg:$0x1] =	wrdreg $0xFFFFFFFF  }
0x34: {  	[dreg:$0x0] =	wrdreg $0x60  }
0x35: {  	[dreg:$0x2] =	wrdreg s25  }
0x36: {  	[dreg:$0x3] =	wrdreg $0xA  }
0x37: {  	_ =	task.clear_ibuf [dreg:s23], $0x4FFFF;
	_ =	strace $0x9000004F  }
0x38: {  	s29 =	simm.s32 $0xA;
	_ =	strace $0x80000051  }
0x39: {  	_ =	swait.ge [sflag:s29], $0x1  }
0x3a: {  	[sflag:s29] =	ssyncadd.s32 $0xFFFFFFFF  }
0x3b: {  	_ =	strace $0x90000051  }
0x3c: {  	_ =	sfence  }
0x3d: {  	s30 =	sld [smem:$0x0];
	_ =	sdelay $0x2  }
0x3e: {  	s31 =	sshll.u32 s1, $0xD;
	s1 =	sshrl.u32 s1, $0x2  }
0x3f: {  	s4 =	sand.u32 $0x4000, s31;
	s1 =	sadd.s32 s1, s30  }
0x40: {  	s0 =	sor.u32 s4, s0;
	s1 =	sshll.u32 s1, $0x11  }
0x41: {  	s0 =	sor.u32 s1, s0  }
0x42: {  	s0 =	sadd.s32 $0x8F2B, s0  }
0x43: {  	[sflag:s0] =	ssyncadd.remote.s32 $0x1  }
0x44: {  	_ =	sfence.sel $0xFFFF  }
0x45: {  	[dreg:$0x0] =	wrdreg $0xFFFFFFFF;
	(pc) =	sbr.abs _section_cstart, $3  }
0x46: {  	[dreg:$0x1] =	wrdreg $0xFFFFFFFF  }
0x47: {  	_ =	task.clear_ibuf [dreg:s23], $0x2FFFF;
	_ =	strace $0x9FFFFFFF  }
0x48: {  	(tm) =	ssettm $0x7FFFFFFF  }
0x49: {  	_ =	shalt  }
tec
execute0_lowered:
.L_overlay_start_1:
0x0: {  	(tag) =	ssettag $0x1  }
0x1: {  	s0 =	stileid.u32;
	s2 =	srdreg.scid  }
0x2: {  	s7 =	rddreg [dreg:$0x0];
	s8 =	simm.s32 $0x2;
	s1 =	sshll.u32 s0, $0x3  }
0x3: {  	s15 =	simm.s32 $0x0;
	s9 =	simm.s32 $0x110000;
	s3 =	ssub.s32 $0x80, s1  }
0x4: {  	s17 =	simm.s32 $0x0;
	s2 =	sand.u32 $0x1, s2;
	s4 =	sand.u32 $0x78, s3  }
0x5: {  	s5 =	ssub.s32 $0x4, s2;
	p0 =	sne.s32 s4, $0x0;
	s4 =	simm.s32 $0x1  }
0x6: {  	s3 =	sshrl.u32 s3, $0x7;
	s6 =	sshrl.u32 s5, $0x1;
	s4 =	simm.s32 @!p0 $0x0  }
0x7: {  	s16 =	simm.s32 $0x0;
	s31 =	ssub.s32 s5, s6;
	s3 =	sadd.s32 s4, s3  }
0x8: {  	s18 =	simm.s32 $0x0;
	s11 =	simm.s32 $0x0;
	s5 =	smul.u32 s3, s31  }
.Ltmp0:
0x9: {  	s12 =	simm.s32 $0x0;
	s14 =	simm.s32 $0x0;
	(pc) =	sbr.rel .LBB1_1-.Ltmp0, $4  }
0xa: {  	s10 =	smov.u32 s2;
	s13 =	smov.u32 s1;
	s4 =	simm.s32 $0x1  }
0xb: {  	s3 =	rddreg [dreg:$0x1];
	_ =	strace $0x80000050;
	s5 =	smul.u32 $0x11, s5  }
0xc: {  	s6 =	sadd.s32 $0x5CFA00, s7;
	s7 =	sadd.s32 $0x10FA00, s7;
	[sflag:s4] =	ssyncpa.u1 $0x0  }
0xd: {  	p0 =	por $0x0, $0x0;
	[sflag:s8] =	ssyncpa.u1 $0x0;
	s8 =	sadd.s32 $0x1, s5  }
.LBB1_7:
0xe: {  	s19 =	sadd.s32 $0x2, s10  }
0xf: {  	s15 =	simm.s32 $0x1;
	p2 =	sgt.s32 s19, $0x3  }
0x10: {  	s15 =	simm.s32 @!p2 $0x0  }
0x11: {  	s20 =	sadd.s32 s15, s11  }
0x12: {  	s21 =	smov.u32 s12;
	s15 =	sadd.s32 $0x80, s12;
	p3 =	sgt.s32 s20, $0x10  }
0x13: {  	s21 =	smov.u32 @p3 s15  }
0x14: {  	s22 =	smov.u32 s13;
	s15 =	sadd.s32 $0x80, s13;
	p4 =	sgt.s32 s21, $0x7F  }
0x15: {  	p1 =	slt.u32 s14, $0x2;
	s22 =	smov.u32 @p4 s15  }
0x16: {  	s17 =	smov.u32 s11;
	s19 =	smov.u32 @p2 s2;
	p2 =	sgt.s32 s22, $0x7F  }
0x17: {  	s23 =	simm.s32 @!p1 $0x2;
	s22 =	smov.u32 @p2 s1;
	p2 =	sne.s32 s14, s8  }
.Ltmp1:
0x18: {  	s16 =	smov.u32 s12;
	_ =	swait.ge @!p1 [sflag:s23], $0x4000;
	(pc) =	sbr.rel @!p2 .LBB1_8-.Ltmp1, $4  }
0x19: {  	s18 =	smov.u32 s13;
	[sflag:s23] =	ssyncset.done @!p1 $0x0;
	s20 =	simm.s32 @p3 $0x0  }
0x1a: {  	p0 =	por !p0, !p0;
	[sflag:s23] =	ssyncadd.s32 @!p1 $0xFFFFC000;
	s11 =	smov.u32 s20  }
0x1b: {  	s21 =	simm.s32 @p4 $0x0;
	s15 =	smov.u32 s10;
	s10 =	smov.u32 s19  }
0x1c: {  	s12 =	smov.u32 s21;
	s14 =	sadd.s32 $0x1, s14;
	s13 =	smov.u32 s22  }
.LBB1_1:
0x1d: {  	p1 =	sge.u32 s14, s5  }
0x1e: {  	s19 =	smul.u32 @!p1 $0x22000, s13  }
0x1f: {  	s31 =	sadd.s32 $0xFFFFFFFF, s14;
	s21 =	smul.u32 @!p1 $0x440, s12  }
0x20: {  	s20 =	sxor.u32 @!p1 $0xFFFFFFFF, s14;
	s22 =	sshll.u32 @!p1 s11, $0x6;
	s19 =	sadd.s32 @!p1 s6, s19  }
0x21: {  	s23 =	sshll.u32 @!p1 s10, $0x4;
	s20 =	sshll.u32 @!p1 s20, $0xE;
	s19 =	sadd.s32 @!p1 s21, s19  }
0x22: {  	s20 =	sand.u32 @!p1 $0x4000, s20;
	s21 =	sand.u32 @!p1 $0x30, s23;
	s19 =	sadd.s32 @!p1 s22, s19  }
0x23: {  	s22 =	simm.s32 @!p1 $0x2200;
	s19 =	sadd.s32 @!p1 s21, s19;
	s21 =	simm.s32 @!p1 $0x10  }
0x24: {  	[tilespmem:s20], [sflag:$0x1] =	stream.strided.gather @!p1 [hbm4b:s19+s21], $0x4000, s22, s21, $0x38;
	[tilespmem:$0x10100] =	vst v63  }
0x25: {  	p1 =	sge.u32 s31, s5  }
.Ltmp2:
0x26: {  	_ = 	snop;
	(pc) =	sbr.rel @p1 .LBB1_7-.Ltmp2, $1  }
0x27: {  	_ =	sdelay $0x3  }
0x28: {  	s19 =	simm.s32 $0x1;
	s20 =	sand.u32 $0x1, s14  }
0x29: {  	s19 =	simm.s32 @!p0 $0x0;
	s22 =	smul.u32 $0x10200, s20  }
0x2a: {  	_ =	swait.ge [sflag:s4], $0x4000;
	s21 =	smul.u32 $0x10200, s19  }
0x2b: {  	[sflag:s4] =	ssyncset.done $0x0;
	s20 =	sshll.u32 s19, $0xE  }
0x2c: {  	[sflag:s4] =	ssyncadd.s32 $0xFFFFC000;
	s31 =	sshrl.u32 s22, $0x2;
	s30 =	sshrl.u32 s21, $0x2  }
0x2d: {  	s22 =	simm.s32 $0x0;
	s19 =	sor.u32 $0x8000, s31;
	s21 =	sor.u32 $0x8000, s30  }
.LBB1_3:
0x2e: {  	v0 =	vmov s20;
	_ =	sdelay $0x3  }
0x2f: {  	s23 =	simm.s32 $0x0  }
0x30: {  	v1 =	vld.idx.msk [tilespmem:v0+s23+$0x0 ss:$0x1], $0xffff;
	_ =	sdelay $0x2  }
0x31: {  	s24 =	simm.s32 $0x40;
	s23 =	smov.u32 s21  }
.LBB1_4:
0x32: {  	s25 =	sshra.s32 s24, $0x2;
	p1 =	sne.s32 s24, $0x1FC0;
	s24 =	sadd.s32 $0x40, s24  }
.Ltmp3:
0x33: {  	[tilespmem:s23+$0x0 ss:$0x408] =	vst.msk $0xffff, v1;
	v1 =	vld.idx.msk [tilespmem:v0+s25+$0x0 ss:$0x1], $0xffff;
	(pc) =	sbr.rel @p1 .LBB1_4-.Ltmp3, $2  }
0x34: {  	_ =	sdelay $0x2  }
0x35: {  	s23 =	sadd.s32 $0x1, s23  }
0x36: {  	s22 =	sadd.s32 $0x1, s22  }
0x37: {  	p1 =	sne.s32 s22, $0x8  }
.Ltmp4:
0x38: {  	_ = 	snop;
	(pc) =	sbr.rel @p1 .LBB1_3-.Ltmp4, $2  }
0x39: {  	_ =	sdelay $0x2  }
0x3a: {  	[tilespmem:s23+$0x0 ss:$0x408] =	vst.msk $0xffff, v1;
	s20 =	sadd.s32 $0x800, s20;
	s21 =	sadd.s32 $0x81, s21  }
0x3b: {  	s18 =	sshll.u32 s18, $0x7  }
0x3c: {  	s20 =	sshll.u32 s16, $0x3;
	s17 =	sshll.u32 s17, $0xD;
	s30 =	sshrl.u32 s16, $0x3  }
0x3d: {  	s15 =	sshll.u32 s15, $0xB;
	s21 =	sand.u32 $0x3C00, s18;
	s20 =	sand.u32 $0x3C00, s20  }
0x3e: {  	s18 =	sand.u32 $0x380, s18;
	s17 =	sadd.s32 s7, s17;
	s20 =	sadd.s32 s21, s20  }
.Ltmp5:
0x3f: {  	s18 =	sor.u32 s18, s20;
	s20 =	sand.u32 $0xF, s30;
	(pc) =	sbr.rel .LBB1_7-.Ltmp5, $4  }
0x40: {  	s31 =	sand.u32 $0x7, s16;
	s18 =	sshrl.u32 s18, $0x3;
	s17 =	sadd.s32 s20, s17  }
0x41: {  	s16 =	sshll.u32 s31, $0x12;
	s18 =	sand.u32 $0x7F0, s18;
	s15 =	sadd.s32 s15, s17  }
0x42: {  	s16 =	sor.u32 $0x400, s16;
	s15 =	sadd.s32 s18, s15  }
0x43: {  	[hbm4b:s15+s16] =	stream.strided.scatter [tilespmem:s19], [sflag:$0x2], $0x4000, s9, s16, $0x20;
	[tilespmem:$0x10100] =	vst v63  }
.LBB1_8:
0x44: {  	_ =	sfence.sel $0x180000  }
0x45: {  	s1 =	simm.s32 $0x1;
	[bflag:$0x0] =	sbarrier.arrive $0xFFFF  }
0x46: {  	s31 =	simm.s32 $0x2;
	[sflag:s1] =	ssyncpa.u1 $0x1  }
0x47: {  	[sflag:s31] =	ssyncpa.u1 $0x1  }
0x48: {  	p0 =	sne.s32 s0, $0x0;
	_ =	strace $0x90000050  }
0x49: {  	s0 =	sadd.s32 @!p0 $0x100000, s3;
	[bflag:$0x2] =	sbarrier.arrive $0xFFFF  }
0x4a: {  	[sflag:s0] =	ssyncadd.tile.s32 @!p0 $0x1;
	_ =	shalt  }
.Lfunc_end1:
_tile_overlayer_lowered:
.L_overlay_start_2:
0x4b: {  	(tag) =	ssettag $0x2  }
0x4c: {  	s0 =	rddreg [dreg:$0x0];
	s2 =	stileid.u32  }
0x4d: {  	s1 =	rddreg [dreg:$0x1];
	p0 =	sne.s32 s2, $0x0  }
0x4e: {  	s3 =	rddreg [dreg:$0x2];
	[bflag:$0x3] =	sbarrier.arrive $0xFFFF;
	s2 =	simm.s32 @!p0 $0x1C01  }
0x4f: {  	[timem:s3], [sflag:s2] =	dma.local @!p0 [hbm:s0], s1  }
0x50: {  	s0 =	simm.s32 @!p0 $0x1  }
0x51: {  	_ =	swait.ge @!p0 [sflag:s0], s1  }
0x52: {  	s1 =	ssub.s32 @!p0 $0x0, s1;
	[sflag:s0] =	ssyncset.done @!p0 $0x0  }
0x53: {  	[sflag:s0] =	ssyncadd.s32 @!p0 s1  }
0x54: {  	[bflag:$0x3] =	sbarrier.arrive $0xFFFF  }
0x55: {  	_ =	shalt  }

// kernel: sparse-core-data-format-call.cloned.1.call-start
scs
called_computation.2_lowered:
.L_overlay_start_0:
0x0: {  	s1 =	sld [smem:$0x3FD9]  }
0x1: {  	s2 =	sld [smem:$0x3FFE];
	_ =	sdelay $0x1  }
0x2: {  	s3 =	srdreg.scid  }
0x3: {  	s0 =	sand.u32 $0x1, s3  }
0x4: {  	s17 =	sshll.u32 s0, $0xA;
	s1 =	sadd.s32 s2, s1  }
0x5: {  	s1 =	sadd.s32 s1, s17  }
0x6: {  	[smem:$0x3FBD] =	sst s1  }
0x7: {  	_ = 	snop  }
0x8: {  	(tm) =	ssettm $0x1  }
0x9: {  	s18 =	sld [smem:$0x3FFB];
	_ =	sdelay $0x3  }
0xa: {  	_ =	strace s18  }
0xb: {  	s1 =	sld [smem:$0x3FFC];
	_ =	sdelay $0x3  }
0xc: {  	_ =	strace s1  }
0xd: {  	s1 =	sld [smem:$0x3FFD];
	_ =	sdelay $0x3  }
0xe: {  	_ =	strace s1  }
0xf: {  	_ =	strace $0x8FFFFFFF  }
0x10: {  	s19 =	sld [smem:$0x3FDB];
	_ =	sdelay $0x1  }
0x11: {  	s20 =	simm.s32 $_scs_section_size  }
0x12: {  	s4 =	simm.s32 $_size__tile_overlayer_lowered;
	s5 =	simm.s32 $_tile_overlayer_lowered  }
0x13: {  	s23 =	simm.s32 $0x1BFF;
	s22 =	sshll.u32 s5, $0x1;
	s1 =	sadd.s32 s20, s19  }
0x14: {  	s6 =	simm.s32 $0x0;
	s21 =	sshll.u32 s4, $0x1;
	s4 =	sadd.s32 s22, s1  }
0x15: {  	[timem:s6], [sflag:s23] =	dma.local [hbm:s4], s21  }
0x16: {  	_ =	swait.ge [sflag:s23], s21  }
0x17: {  	s2 =	ssub.s32 $0x0, s21;
	[sflag:s23] =	ssyncset.done $0x0  }
0x18: {  	[sflag:s23] =	ssyncadd.s32 s2;
	_ =	sdelay $0x1  }
0x19: {  	s24 =	simm.s32 $0x1B8B  }
0x1a: {  	_ =	swait.ge [sflag:s24], $0x1  }
0x1b: {  	[sflag:s24] =	ssyncset.done $0x0  }
0x1c: {  	s26 =	simm.s32 $0x1B8E;
	s25 =	sld [smem:$0x3FFE];
	[sflag:s24] =	ssyncadd.s32 $0xFFFFFFFF  }
0x1d: {  	s27 =	simm.s32 $execute0_lowered;
	[smem:$0x3FD2] =	sst s26  }
0x1e: {  	s4 =	sshll.u32 s27, $0x1;
	_ =	strace $0x80000052;
	[dreg:$0x1] =	wrdreg $0xFFFFFFFF  }
0x1f: {  	s28 =	simm.s32 $_size_execute0_lowered;
	s1 =	sadd.s32 s1, s4;
	[dreg:$0x0] =	wrdreg $0x0  }
0x20: {  	s4 =	sshll.u32 s28, $0x1;
	[dreg:$0x2] =	wrdreg s1  }
0x21: {  	[dreg:$0x3] =	wrdreg s4  }
0x22: {  	[dreg:$0x4] =	wrdreg $0xC0  }
0x23: {  	_ =	task [dreg:s6], $0x5FFFF  }
0x24: {  	[dreg:$0x1] =	wrdreg $0xFFFFFFFF  }
0x25: {  	[dreg:$0x0] =	wrdreg $0x60  }
0x26: {  	[dreg:$0x2] =	wrdreg s25  }
0x27: {  	[dreg:$0x3] =	wrdreg $0x9  }
0x28: {  	_ =	task.clear_ibuf [dreg:s6], $0x4FFFF;
	_ =	strace $0x90000052  }
0x29: {  	s29 =	simm.s32 $0x9;
	_ =	strace $0x80000054  }
0x2a: {  	_ =	swait.ge [sflag:s29], $0x1  }
0x2b: {  	[sflag:s29] =	ssyncadd.s32 $0xFFFFFFFF  }
0x2c: {  	_ =	strace $0x90000054  }
0x2d: {  	_ =	sfence  }
0x2e: {  	s30 =	sld [smem:$0x0];
	_ =	sdelay $0x2  }
0x2f: {  	s31 =	sshll.u32 s3, $0xD;
	s3 =	sshrl.u32 s3, $0x2  }
0x30: {  	s2 =	sand.u32 $0x4000, s31;
	s1 =	sadd.s32 s3, s30  }
0x31: {  	s0 =	sor.u32 s2, s0;
	s1 =	sshll.u32 s1, $0x11  }
0x32: {  	s0 =	sor.u32 s1, s0  }
0x33: {  	s0 =	sadd.s32 $0x8F2B, s0  }
0x34: {  	[sflag:s0] =	ssyncadd.remote.s32 $0x1  }
0x35: {  	_ =	sfence.sel $0xFFFF  }
0x36: {  	[dreg:$0x0] =	wrdreg $0xFFFFFFFF;
	(pc) =	sbr.abs _section_cstart, $3  }
0x37: {  	[dreg:$0x1] =	wrdreg $0xFFFFFFFF  }
0x38: {  	_ =	task.clear_ibuf [dreg:s6], $0x2FFFF;
	_ =	strace $0x9FFFFFFF  }
0x39: {  	(tm) =	ssettm $0x7FFFFFFF  }
tec
execute0_lowered:
.L_overlay_start_1:
0x0: {  	(tag) =	ssettag $0x1  }
0x1: {  	s6 =	rddreg [dreg:$0x0]  }
0x2: {  	s0 =	rddreg [dreg:$0x1]  }
0x3: {  	_ =	strace $0x80000053;
	s4 =	srdreg.scid;
	s1 =	stileid.u32  }
0x4: {  	s7 =	simm.s32 $0x2;
	s13 =	simm.s32 $0x0;
	p0 =	por $0x0, $0x0  }
0x5: {  	s14 =	simm.s32 $0x0;
	s15 =	simm.s32 $0x0;
	s10 =	simm.s32 $0x0  }
.Ltmp0:
0x6: {  	s11 =	simm.s32 $0x0;
	s8 =	simm.s32 $0x0;
	(pc) =	sbr.rel .LBB1_1-.Ltmp0, $4  }
0x7: {  	s9 =	simm.s32 $0x0;
	s2 =	sadd.s32 $0x32FA00, s6;
	s5 =	sshll.u32 s4, $0x4  }
0x8: {  	s3 =	sadd.s32 $0x42FA00, s6;
	s4 =	simm.s32 $0x1;
	s5 =	sand.u32 $0x10, s5  }
0x9: {  	s6 =	sadd.s32 $0x3AFA00, s6;
	[sflag:s4] =	ssyncpa.u1 $0x0;
	s5 =	sor.u32 s1, s5  }
0xa: {  	[sflag:s7] =	ssyncpa.u1 $0x0;
	s7 =	simm.s32 $0x4000;
	s12 =	smov.u32 s5  }
.LBB1_7:
0xb: {  	s16 =	sadd.s32 $0x20, s10;
	s13 =	sadd.s32 $0x4, s11  }
0xc: {  	s17 =	smov.u32 s11;
	s18 =	smov.u32 s12;
	p1 =	slt.u32 s9, $0x2  }
0xd: {  	s9 =	sadd.s32 $0x1, s9;
	s14 =	smov.u32 s11;
	p2 =	sgt.s32 s16, $0x7F  }
0xe: {  	s15 =	smov.u32 s12;
	p0 =	por !p0, !p0;
	s17 =	smov.u32 @p2 s13  }
0xf: {  	s19 =	simm.s32 @!p1 $0x2;
	s13 =	sadd.s32 $0x20, s12;
	p3 =	sgt.s32 s17, $0x3  }
0x10: {  	s18 =	smov.u32 @p3 s13;
	s17 =	simm.s32 @p3 $0x0;
	p3 =	sne.s32 s9, $0x12  }
.Ltmp1:
0x11: {  	s16 =	simm.s32 @p2 $0x0;
	_ =	swait.ge @!p1 [sflag:s19], $0x4000;
	(pc) =	sbr.rel @!p3 .LBB1_8-.Ltmp1, $4  }
0x12: {  	[sflag:s19] =	ssyncset.done @!p1 $0x0;
	s13 =	sadd.s32 $0x2, s8;
	p4 =	sgt.s32 s18, $0x7F  }
0x13: {  	[sflag:s19] =	ssyncadd.s32 @!p1 $0xFFFFC000;
	s11 =	smov.u32 s17;
	s8 =	smov.u32 @p4 s13  }
0x14: {  	s18 =	smov.u32 @p4 s5;
	s13 =	smov.u32 s10;
	p2 =	sgt.s32 s8, $0x1  }
0x15: {  	s10 =	smov.u32 s16;
	s12 =	smov.u32 s18;
	s8 =	simm.s32 @p2 $0x0  }
.LBB1_1:
0x16: {  	p1 =	sgt.u32 s9, $0xF  }
0x17: {  	s16 =	sshll.u32 @!p1 s8, $0x13;
	s17 =	sshll.u32 @!p1 s12, $0xC  }
0x18: {  	s19 =	sshll.u32 @!p1 s11, $0xA;
	s20 =	sshll.u32 @!p1 s10, $0x3;
	s21 =	sxor.u32 @!p1 $0xFFFFFFFF, s9  }
0x19: {  	s22 =	simm.s32 @!p1 $0x800;
	s23 =	simm.s32 @!p1 $0x2000;
	s18 =	sadd.s32 @!p1 s16, s17  }
0x1a: {  	s20 =	sand.u32 @!p1 $0x3F0, s20;
	s16 =	sadd.s32 @!p1 s16, s6;
	s18 =	sadd.s32 @!p1 s2, s18  }
0x1b: {  	s21 =	sshll.u32 @!p1 s21, $0xE;
	s16 =	sadd.s32 @!p1 s17, s16;
	s18 =	sadd.s32 @!p1 s19, s18  }
0x1c: {  	s21 =	sand.u32 @!p1 $0x4000, s21;
	s16 =	sadd.s32 @!p1 s19, s16;
	s18 =	sadd.s32 @!p1 s20, s18  }
0x1d: {  	[tilespmem:s21], [sflag:$0x1] =	stream.strided.gather @!p1 [hbm4b:s18+s22], $0x2000, s23, s22, $0x38;
	[tilespmem:$0x10000] =	vst v63  }
0x1e: {  	s17 =	sor.u32 @!p1 $0x2000, s21;
	s16 =	sadd.s32 @!p1 s20, s16  }
0x1f: {  	[tilespmem:s17], [sflag:$0x1] =	stream.strided.gather @!p1 [hbm4b:s16+s22], $0x2000, s23, s22, $0x38;
	[tilespmem:$0x10000] =	vst v63  }
0x20: {  	p1 =	seq.s32 s9, $0x0  }
0x21: {  	p2 =	seq.s32 @!p1 s9, $0x11  }
0x22: {  	p1 =	por p1, p2  }
.Ltmp2:
0x23: {  	_ = 	snop;
	(pc) =	sbr.rel @p1 .LBB1_7-.Ltmp2, $1  }
0x24: {  	_ =	sdelay $0x3  }
0x25: {  	s16 =	simm.s32 $0x1  }
0x26: {  	s16 =	simm.s32 @!p0 $0x0  }
0x27: {  	s18 =	sshll.u32 s16, $0x10  }
0x28: {  	s18 =	sshrl.u32 s18, $0x2  }
0x29: {  	v0 =	vmov s18  }
0x2a: {  	_ =	swait.ge [sflag:s4], $0x4000  }
0x2b: {  	s17 =	sshll.u32 s9, $0xE;
	p1 =	por $0x0, $0x0;
	s19 =	simm.s32 $0x2000  }
0x2c: {  	s20 =	simm.s32 $0x0;
	[sflag:s4] =	ssyncset.done $0x0;
	s31 =	sand.u32 $0x4000, s17  }
0x2d: {  	s17 =	simm.s32 $0x0;
	[sflag:s4] =	ssyncadd.s32 $0xFFFFC000;
	s16 =	sor.u32 $0x8000, s31  }
.LBB1_3:
0x2e: {  	_ =	sdelay $0x3  }
0x2f: {  	v2 =	vld.idx.msk [tilespmem:v0+s19+$0xFFFFE040 ss:$0x1], $0xffff  }
0x30: {  	v1 =	vld.idx.msk [tilespmem:v0+s19+$0x0 ss:$0x1], $0xffff  }
0x31: {  	v3 =	vld.idx.msk [tilespmem:v0+s19+$0xFFFFE010 ss:$0x1], $0xffff  }
0x32: {  	v4 =	vld.idx.msk [tilespmem:v0+s19+$0xFFFFE030 ss:$0x1], $0xffff  }
0x33: {  	v6 =	vld.idx.msk [tilespmem:v0+s19+$0x50 ss:$0x1], $0xffff  }
0x34: {  	v5 =	vld.idx.msk [tilespmem:v0+s19+$0x10 ss:$0x1], $0xffff  }
0x35: {  	v7 =	vld.idx.msk [tilespmem:v0+s19+$0x70 ss:$0x1], $0xffff  }
0x36: {  	v8 =	vld.idx.msk [tilespmem:v0+s19+$0x30 ss:$0x1], $0xffff  }
0x37: {  	v10 =	vld.idx.msk [tilespmem:v0+s19+$0x40 ss:$0x1], $0xffff  }
0x38: {  	v11 =	vld.idx.msk [tilespmem:v0+s19+$0xFFFFE050 ss:$0x1], $0xffff  }
0x39: {  	v16 =	vld.idx.msk [tilespmem:v0+s19+$0x60 ss:$0x1], $0xffff  }
0x3a: {  	v19 =	vld.idx.msk [tilespmem:v0+s19+$0x20 ss:$0x1], $0xffff;
	v12 =	vunpack.i.l.s16.s32 v2;
	v13 =	vunpack.i.u.s16.s32 v3  }
0x3b: {  	v9 =	vld.idx.msk [tilespmem:v0+s19+$0xFFFFE070 ss:$0x1], $0xffff;
	s21 =	simm.s32 $0x1;
	s22 =	sshrl.u32 s17, $0x1;
	v15 =	vunpack.i.u.s16.s32 v5;
	v3 =	vunpack.i.l.s16.s32 v3;
	v5 =	vunpack.i.l.s16.s32 v5  }
0x3c: {  	v14 =	vld.idx.msk [tilespmem:v0+s19+$0xFFFFE000 ss:$0x1], $0xffff;
	s21 =	simm.s32 @!p1 $0x0;
	s22 =	sand.u32 $0x3FFFFFFE, s22;
	v17 =	vunpack.i.u.s16.s32 v1;
	v18 =	vunpack.i.l.s16.s32 v1;
	v20 =	vunpack.i.l.s16.s32 v7  }
0x3d: {  	v23 =	vld.idx.msk [tilespmem:v0+s19+$0xFFFFE060 ss:$0x1], $0xffff;
	s25 =	sadd.s32 $0x80, s19;
	s21 =	sor.u32 s21, s22;
	v21 =	vunpack.i.l.s16.s32 v8;
	v22 =	vunpack.i.l.s16.s32 v10;
	v24 =	vunpack.i.l.s16.s32 v4  }
0x3e: {  	v26 =	vld.idx.msk [tilespmem:v0+s25+$0x0 ss:$0x1], $0xffff;
	s22 =	sadd.s32 $0x8000, s21;
	v8 =	vunpack.i.u.s16.s32 v8;
	v25 =	vunpack.i.u.s16.s32 v11;
	v27 =	vunpack.i.u.s16.s32 v4  }
0x3f: {  	v28 =	vld.idx.msk [tilespmem:v0+s25+$0x10 ss:$0x1], $0xffff;
	s21 =	sadd.s32 s18, s22;
	v60 =	vunpack.i.l.s16.s32 v19;
	v61 =	vunpack.i.l.s16.s32 v16;
	v3 =	vpack.i.b32.b16 v5, v3  }
0x40: {  	v62 =	vld.idx.msk [tilespmem:v0+s25+$0xFFFFE070 ss:$0x1], $0xffff;
	v10 =	vunpack.i.u.s16.s32 v10;
	v5 =	vpack.i.b32.b16 v15, v13;
	v21 =	vpack.i.b32.b16 v21, v24;
	[tilespmem:s21+$0x40 ss:$0x4] =	vst.msk $0xffff, v3  }
0x41: {  	v1 =	vld.idx.msk [tilespmem:v0+s25+$0xFFFFE040 ss:$0x1], $0xffff;
	v13 =	vunpack.i.l.s16.s32 v9;
	v9 =	vunpack.i.u.s16.s32 v9;
	v12 =	vpack.i.b32.b16 v22, v12;
	[tilespmem:s21+$0xC0 ss:$0x4] =	vst.msk $0xffff, v21  }
0x42: {  	v4 =	vld.idx.msk [tilespmem:v0+s25+$0xFFFFE030 ss:$0x1], $0xffff;
	v8 =	vpack.i.b32.b16 v8, v27;
	v22 =	vunpack.i.u.s16.s32 v23;
	v13 =	vpack.i.b32.b16 v20, v13;
	[tilespmem:s21+$0x100 ss:$0x4] =	vst.msk $0xffff, v12  }
0x43: {  	v15 =	vld.idx.msk [tilespmem:v0+s19+$0xFFFFE020 ss:$0x1], $0xffff;
	v3 =	vunpack.i.l.s16.s32 v11;
	v11 =	vunpack.i.l.s16.s32 v6;
	v21 =	vunpack.i.u.s16.s32 v7;
	[tilespmem:s21+$0x1C0 ss:$0x4] =	vst.msk $0xffff, v13  }
0x44: {  	v20 =	vld.idx.msk [tilespmem:v0+s25+$0xFFFFE010 ss:$0x1], $0xffff;
	v7 =	vunpack.i.l.s16.s32 v14;
	v6 =	vunpack.i.u.s16.s32 v6;
	v11 =	vpack.i.b32.b16 v11, v3;
	[tilespmem:s21+$0x2C0 ss:$0x4] =	vst.msk $0xffff, v8  }
0x45: {  	v3 =	vld.idx.msk [tilespmem:v0+s25+$0x50 ss:$0x1], $0xffff;
	v8 =	vunpack.i.u.s16.s32 v2;
	[tilespmem:s21+$0x240 ss:$0x4] =	vst.msk $0xffff, v5;
	v7 =	vpack.i.b32.b16 v18, v7;
	v12 =	vpack.i.b32.b16 v6, v25  }
0x46: {  	v2 =	vld.idx.msk [tilespmem:v0+s25+$0x70 ss:$0x1], $0xffff;
	v6 =	vunpack.i.u.s16.s32 v16;
	v16 =	vunpack.i.u.s16.s32 v14;
	v18 =	vunpack.i.u.s16.s32 v28;
	[tilespmem:s21+$0x140 ss:$0x4] =	vst.msk $0xffff, v11  }
0x47: {  	v13 =	vld.idx.msk [tilespmem:v0+s25+$0x30 ss:$0x1], $0xffff;
	v63 =	vpack.i.b32.b16 v21, v9;
	v9 =	vunpack.i.u.s16.s32 v26;
	v10 =	vpack.i.b32.b16 v10, v8;
	[tilespmem:s21+$0x0 ss:$0x4] =	vst.msk $0xffff, v7  }
0x48: {  	v14 =	vld.idx.msk [tilespmem:v0+s25+$0xFFFFE050 ss:$0x1], $0xffff;
	v8 =	vunpack.i.l.s16.s32 v23;
	v6 =	vpack.i.b32.b16 v6, v22;
	v16 =	vpack.i.b32.b16 v17, v16;
	[tilespmem:s21+$0x340 ss:$0x4] =	vst.msk $0xffff, v12  }
0x49: {  	v7 =	vld.idx.msk [tilespmem:v0+s25+$0x40 ss:$0x1], $0xffff;
	v23 =	vunpack.i.l.s16.s32 v28;
	v5 =	vunpack.i.l.s16.s32 v1;
	v8 =	vpack.i.b32.b16 v61, v8;
	[tilespmem:s21+$0x300 ss:$0x4] =	vst.msk $0xffff, v10  }
0x4a: {  	v12 =	vld.idx.msk [tilespmem:v0+s25+$0x60 ss:$0x1], $0xffff;
	v10 =	vunpack.i.u.s16.s32 v62;
	v11 =	vunpack.i.l.s16.s32 v15;
	[tilespmem:s21+$0x180 ss:$0x4] =	vst.msk $0xffff, v8;
	v8 =	vunpack.i.u.s16.s32 v15  }
0x4b: {  	[tilespmem:s21+$0x200 ss:$0x4] =	vst.msk $0xffff, v16;
	v16 =	vld.idx.msk [tilespmem:v0+s25+$0xFFFFE060 ss:$0x1], $0xffff;
	v15 =	vunpack.i.u.s16.s32 v19;
	v11 =	vpack.i.b32.b16 v60, v11;
	v17 =	vunpack.i.u.s16.s32 v20  }
0x4c: {  	[tilespmem:s21+$0x380 ss:$0x4] =	vst.msk $0xffff, v6;
	v6 =	vld.idx.msk [tilespmem:v0+s25+$0xFFFFE000 ss:$0x1], $0xffff;
	v19 =	vpack.i.b32.b16 v15, v8;
	v22 =	vunpack.i.l.s16.s32 v20;
	v15 =	vunpack.i.l.s16.s32 v26  }
0x4d: {  	s23 =	simm.s32 $0x2;
	s24 =	sadd.s32 $0x400, s22;
	[tilespmem:s21+$0x3C0 ss:$0x4] =	vst.msk $0xffff, v63;
	v8 =	vld.idx.msk [tilespmem:v0+s25+$0x20 ss:$0x1], $0xffff;
	v20 =	vunpack.i.l.s16.s32 v2;
	v21 =	vpack.i.b32.b16 v23, v22;
	v17 =	vpack.i.b32.b16 v18, v17  }
0x4e: {  	s22 =	sadd.s32 s18, s24;
	s24 =	sadd.s32 $0x400, s24;
	[tilespmem:s21+$0x80 ss:$0x4] =	vst.msk $0xffff, v11;
	v11 =	vld.idx.msk [tilespmem:v0+s25+$0xFFFFE020 ss:$0x1], $0xffff;
	v23 =	vunpack.i.l.s16.s32 v62;
	v22 =	vunpack.i.l.s16.s32 v13;
	s25 =	sadd.s32 $0x80, s25;
	v18 =	vunpack.i.l.s16.s32 v7  }
.LBB1_4:
0x4f: {  	v24 =	vld.idx.msk [tilespmem:v0+s25+$0xFFFFE040 ss:$0x1], $0xffff;
	s23 =	sadd.s32 $0x2, s23;
	v25 =	vunpack.i.l.s16.s32 v4;
	v13 =	vunpack.i.u.s16.s32 v13;
	v26 =	vunpack.i.u.s16.s32 v14;
	[tilespmem:s21+$0x280 ss:$0x4] =	vst.msk $0xffff, v19;
	s21 =	smov.u32 s22;
	s22 =	sadd.s32 s18, s24  }
0x50: {  	v14 =	vunpack.i.l.s16.s32 v14;
	v19 =	vunpack.i.l.s16.s32 v3;
	v20 =	vpack.i.b32.b16 v20, v23;
	v27 =	vld.idx.msk [tilespmem:v0+s25+$0x0 ss:$0x1], $0xffff;
	p2 =	slt.u32 s23, $0x1E;
	[tilespmem:s21+$0x40 ss:$0x4] =	vst.msk $0xffff, v21  }
0x51: {  	v23 =	vunpack.i.u.s16.s32 v4;
	v22 =	vpack.i.b32.b16 v22, v25;
	v14 =	vpack.i.b32.b16 v19, v14;
	v21 =	vld.idx.msk [tilespmem:v0+s25+$0xFFFFE010 ss:$0x1], $0xffff;
	[tilespmem:s21+$0x1C0 ss:$0x4] =	vst.msk $0xffff, v20  }
0x52: {  	v13 =	vpack.i.b32.b16 v13, v23;
	v19 =	vunpack.i.l.s16.s32 v8;
	v20 =	vunpack.i.u.s16.s32 v2;
	v4 =	vld.idx.msk [tilespmem:v0+s25+$0xFFFFE030 ss:$0x1], $0xffff;
	[tilespmem:s21+$0xC0 ss:$0x4] =	vst.msk $0xffff, v22  }
0x53: {  	v23 =	vunpack.i.l.s16.s32 v6;
	v25 =	vunpack.i.l.s16.s32 v12;
	v22 =	vld.idx.msk [tilespmem:v0+s25+$0x50 ss:$0x1], $0xffff;
	[tilespmem:s21+$0x2C0 ss:$0x4] =	vst.msk $0xffff, v13;
	v13 =	vunpack.i.u.s16.s32 v1  }
0x54: {  	v7 =	vunpack.i.u.s16.s32 v7;
	v28 =	vld.idx.msk [tilespmem:v0+s25+$0x10 ss:$0x1], $0xffff;
	[tilespmem:s21+$0x240 ss:$0x4] =	vst.msk $0xffff, v17;
	v17 =	vpack.i.b32.b16 v18, v5;
	v18 =	vunpack.i.u.s16.s32 v16  }
0x55: {  	v5 =	vunpack.i.l.s16.s32 v24;
	v29 =	vpack.i.b32.b16 v7, v13;
	v7 =	vunpack.i.l.s16.s32 v16;
	v1 =	vmovc v24;
	v2 =	vld.idx.msk [tilespmem:v0+s25+$0x70 ss:$0x1], $0xffff;
	[tilespmem:s21+$0x140 ss:$0x4] =	vst.msk $0xffff, v14  }
0x56: {  	v3 =	vunpack.i.u.s16.s32 v3;
	v14 =	vpack.i.b32.b16 v15, v23;
	v15 =	vpack.i.b32.b16 v25, v7;
	v13 =	vld.idx.msk [tilespmem:v0+s25+$0x30 ss:$0x1], $0xffff;
	[tilespmem:s21+$0x100 ss:$0x4] =	vst.msk $0xffff, v17  }
0x57: {  	v16 =	vpack.i.b32.b16 v3, v26;
	v23 =	vunpack.i.u.s16.s32 v12;
	v24 =	vld.idx.msk [tilespmem:v0+s25+$0xFFFFE070 ss:$0x1], $0xffff;
	[tilespmem:s21+$0x0 ss:$0x4] =	vst.msk $0xffff, v14;
	v14 =	vunpack.i.l.s16.s32 v11  }
0x58: {  	v6 =	vunpack.i.u.s16.s32 v6;
	v12 =	vpack.i.b32.b16 v23, v18;
	v7 =	vld.idx.msk [tilespmem:v0+s25+$0x40 ss:$0x1], $0xffff;
	v17 =	vpack.i.b32.b16 v19, v14;
	[tilespmem:s21+$0x180 ss:$0x4] =	vst.msk $0xffff, v15  }
0x59: {  	v8 =	vunpack.i.u.s16.s32 v8;
	v18 =	vpack.i.b32.b16 v9, v6;
	v9 =	vunpack.i.u.s16.s32 v11;
	v3 =	vmovc v22;
	v14 =	vld.idx.msk [tilespmem:v0+s25+$0xFFFFE050 ss:$0x1], $0xffff;
	[tilespmem:s21+$0x380 ss:$0x4] =	vst.msk $0xffff, v12  }
.Ltmp3:
0x5a: {  	v11 =	vunpack.i.u.s16.s32 v21;
	v19 =	vpack.i.b32.b16 v8, v9;
	v22 =	vunpack.i.u.s16.s32 v28;
	v6 =	vld.idx.msk [tilespmem:v0+s25+$0xFFFFE000 ss:$0x1], $0xffff;
	[tilespmem:s21+$0x340 ss:$0x4] =	vst.msk $0xffff, v16;
	(pc) =	sbr.rel @p2 .LBB1_4-.Ltmp3, $4  }
0x5b: {  	v25 =	vpack.i.b32.b16 v20, v10;
	v16 =	vunpack.i.l.s16.s32 v21;
	v21 =	vunpack.i.l.s16.s32 v28;
	v12 =	vld.idx.msk [tilespmem:v0+s25+$0x60 ss:$0x1], $0xffff;
	[tilespmem:s21+$0x80 ss:$0x4] =	vst.msk $0xffff, v17  }
0x5c: {  	v9 =	vunpack.i.u.s16.s32 v27;
	v15 =	vunpack.i.l.s16.s32 v27;
	v20 =	vunpack.i.l.s16.s32 v2;
	v8 =	vld.idx.msk [tilespmem:v0+s25+$0x20 ss:$0x1], $0xffff;
	[tilespmem:s21+$0x300 ss:$0x4] =	vst.msk $0xffff, v29  }
0x5d: {  	v21 =	vpack.i.b32.b16 v21, v16;
	v17 =	vpack.i.b32.b16 v22, v11;
	v23 =	vunpack.i.l.s16.s32 v24;
	v11 =	vld.idx.msk [tilespmem:v0+s25+$0xFFFFE020 ss:$0x1], $0xffff;
	[tilespmem:s21+$0x200 ss:$0x4] =	vst.msk $0xffff, v18  }
0x5e: {  	s24 =	sadd.s32 $0x400, s24;
	v22 =	vunpack.i.l.s16.s32 v13;
	v10 =	vunpack.i.u.s16.s32 v24;
	v18 =	vunpack.i.l.s16.s32 v7;
	v16 =	vld.idx.msk [tilespmem:v0+s25+$0xFFFFE060 ss:$0x1], $0xffff;
	s25 =	sadd.s32 $0x80, s25;
	[tilespmem:s21+$0x3C0 ss:$0x4] =	vst.msk $0xffff, v25  }
0x5f: {  	[tilespmem:s21+$0x280 ss:$0x4] =	vst.msk $0xffff, v19  }
0x60: {  	[tilespmem:s22+$0x40 ss:$0x4] =	vst.msk $0xffff, v21;
	v20 =	vpack.i.b32.b16 v20, v23  }
0x61: {  	v48 =	vunpack.i.l.s16.s32 v4;
	[tilespmem:s22+$0x1C0 ss:$0x4] =	vst.msk $0xffff, v20  }
0x62: {  	v13 =	vunpack.i.u.s16.s32 v13;
	v49 =	vunpack.i.u.s16.s32 v4;
	v5 =	vpack.i.b32.b16 v18, v5;
	[tilespmem:s22+$0x240 ss:$0x4] =	vst.msk $0xffff, v17  }
0x63: {  	v50 =	vunpack.i.l.s16.s32 v14;
	v51 =	vunpack.i.l.s16.s32 v3;
	v19 =	vpack.i.b32.b16 v22, v48;
	[tilespmem:s22+$0x100 ss:$0x4] =	vst.msk $0xffff, v5  }
0x64: {  	v53 =	vunpack.i.l.s16.s32 v6;
	v1 =	vunpack.i.u.s16.s32 v1;
	v52 =	vpack.i.b32.b16 v51, v50;
	[tilespmem:s22+$0xC0 ss:$0x4] =	vst.msk $0xffff, v19  }
0x65: {  	v62 =	vunpack.i.u.s16.s32 v7;
	v4 =	vpack.i.b32.b16 v13, v49;
	v13 =	vpack.i.b32.b16 v15, v53;
	[tilespmem:s22+$0x140 ss:$0x4] =	vst.msk $0xffff, v52  }
0x66: {  	v2 =	vunpack.i.u.s16.s32 v2;
	v1 =	vpack.i.b32.b16 v62, v1;
	[tilespmem:s22+$0x0 ss:$0x4] =	vst.msk $0xffff, v13  }
0x67: {  	v2 =	vpack.i.b32.b16 v2, v10;
	[tilespmem:s22+$0x300 ss:$0x4] =	vst.msk $0xffff, v1  }
0x68: {  	v58 =	vunpack.i.u.s16.s32 v14;
	v3 =	vunpack.i.u.s16.s32 v3;
	[tilespmem:s22+$0x3C0 ss:$0x4] =	vst.msk $0xffff, v2  }
0x69: {  	s20 =	sadd.s32 $0x1, s20;
	v3 =	vpack.i.b32.b16 v3, v58;
	v60 =	vunpack.i.l.s16.s32 v8;
	[tilespmem:s22+$0x2C0 ss:$0x4] =	vst.msk $0xffff, v4;
	v61 =	vunpack.i.l.s16.s32 v11  }
0x6a: {  	p2 =	sne.s32 s20, $0x4;
	[tilespmem:s22+$0x340 ss:$0x4] =	vst.msk $0xffff, v3;
	v3 =	vunpack.i.u.s16.s32 v6;
	v5 =	vpack.i.b32.b16 v60, v61  }
.Ltmp4:
0x6b: {  	v54 =	vunpack.i.l.s16.s32 v12;
	v55 =	vunpack.i.l.s16.s32 v16;
	v3 =	vpack.i.b32.b16 v9, v3;
	[tilespmem:s22+$0x80 ss:$0x4] =	vst.msk $0xffff, v5;
	(pc) =	sbr.rel @p2 .LBB1_3-.Ltmp4, $4  }
0x6c: {  	v63 =	vunpack.i.u.s16.s32 v8;
	v1 =	vunpack.i.u.s16.s32 v11;
	v4 =	vpack.i.b32.b16 v54, v55;
	[tilespmem:s22+$0x200 ss:$0x4] =	vst.msk $0xffff, v3  }
0x6d: {  	v57 =	vunpack.i.u.s16.s32 v12;
	v56 =	vunpack.i.u.s16.s32 v16;
	v1 =	vpack.i.b32.b16 v63, v1;
	[tilespmem:s22+$0x180 ss:$0x4] =	vst.msk $0xffff, v4  }
0x6e: {  	v59 =	vpack.i.b32.b16 v57, v56;
	[tilespmem:s22+$0x280 ss:$0x4] =	vst.msk $0xffff, v1  }
0x6f: {  	s17 =	sadd.s32 $0x2, s17;
	p1 =	por !p1, !p1;
	s19 =	sadd.s32 $0x800, s19;
	[tilespmem:s22+$0x380 ss:$0x4] =	vst.msk $0xffff, v59  }
.Ltmp5:
0x70: {  	s13 =	sshll.u32 s13, $0x12;
	s15 =	sshll.u32 s15, $0x4;
	(pc) =	sbr.rel .LBB1_7-.Ltmp5, $4  }
0x71: {  	s17 =	sshrl.u32 s14, $0x3;
	s31 =	sand.u32 $0x7, s14;
	s15 =	sadd.s32 s3, s15  }
0x72: {  	s17 =	sand.u32 $0xF, s17;
	s14 =	sshll.u32 s31, $0x12;
	s13 =	sadd.s32 s13, s15  }
0x73: {  	s14 =	sor.u32 $0x4, s14;
	s13 =	sadd.s32 s17, s13  }
0x74: {  	[hbm4b:s13+s14] =	stream.strided.scatter [tilespmem:s16], [sflag:$0x2], $0x4000, s7, s14, $0x38;
	[tilespmem:$0x10000] =	vst v63  }
.LBB1_8:
0x75: {  	_ =	sfence.sel $0x180000  }
0x76: {  	s2 =	simm.s32 $0x1;
	[bflag:$0x0] =	sbarrier.arrive $0xFFFF  }
0x77: {  	s31 =	simm.s32 $0x2;
	[sflag:s2] =	ssyncpa.u1 $0x1  }
0x78: {  	[sflag:s31] =	ssyncpa.u1 $0x1  }
0x79: {  	p0 =	sne.s32 s1, $0x0;
	_ =	strace $0x90000053  }
0x7a: {  	s0 =	sadd.s32 @!p0 $0x100000, s0;
	[bflag:$0x2] =	sbarrier.arrive $0xFFFF  }
0x7b: {  	[sflag:s0] =	ssyncadd.tile.s32 @!p0 $0x1;
	_ =	shalt  }
.Lfunc_end1:
_tile_overlayer_lowered:
.L_overlay_start_2:
0x7c: {  	(tag) =	ssettag $0x2  }
0x7d: {  	s0 =	rddreg [dreg:$0x0];
	s2 =	stileid.u32  }
0x7e: {  	s1 =	rddreg [dreg:$0x1];
	p0 =	sne.s32 s2, $0x0  }
0x7f: {  	s3 =	rddreg [dreg:$0x2];
	[bflag:$0x3] =	sbarrier.arrive $0xFFFF;
	s2 =	simm.s32 @!p0 $0x1C01  }
0x80: {  	[timem:s3], [sflag:s2] =	dma.local @!p0 [hbm:s0], s1  }
0x81: {  	s0 =	simm.s32 @!p0 $0x1  }
0x82: {  	_ =	swait.ge @!p0 [sflag:s0], s1  }
0x83: {  	s1 =	ssub.s32 @!p0 $0x0, s1;
	[sflag:s0] =	ssyncset.done @!p0 $0x0  }
0x84: {  	[sflag:s0] =	ssyncadd.s32 @!p0 s1  }
0x85: {  	[bflag:$0x3] =	sbarrier.arrive $0xFFFF  }
0x86: {  	_ =	shalt  }

</sc_bundles>
